<compile_context>
chip_gen: v7x
topology: tpu7x:2x2x1
jax: 0.10.2.dev20260603
libtpu: 0.0.44.dev20260713+nightly
codegen_flags: <defaults>
</compile_context>

<pallas_src>
import functools

import jax
import jax.numpy as jnp
import numpy as np
from jax import lax
from jax.experimental import pallas as pl
from jax.experimental.pallas import tpu as pltpu
from jax.experimental.pallas import tpu_sc as plsc

VOCAB = 100000
EMBED = 128
SEQLEN = 200
BATCH = 1024

NUM_CORES = 2
NUM_SUBCORES = 16
NUM_WORKERS = NUM_CORES * NUM_SUBCORES
SEQS_PER_WORKER = BATCH // NUM_WORKERS
ROWS_PER_WORKER = SEQS_PER_WORKER * SEQLEN
CHUNKS = ((0, 120), (120, 80))
NBUF = 4


def _positional_table():
    position = np.arange(SEQLEN, dtype=np.float32)[:, None]
    div_term = np.exp(
        np.arange(0, EMBED, 2, dtype=np.float32) * -(np.log(10000.0) / EMBED)
    ).astype(np.float32)
    ang = (position * div_term[None, :]).astype(np.float32)
    pe = np.zeros((SEQLEN, EMBED), dtype=np.float32)
    pe[:, 0::2] = np.sin(ang)
    pe[:, 1::2] = np.cos(ang)
    return jnp.asarray(pe, dtype=jnp.float32)


_MESH = plsc.VectorSubcoreMesh(
    core_axis_name="c", subcore_axis_name="s",
    num_cores=NUM_CORES, num_subcores=NUM_SUBCORES,
)


@functools.partial(
    pl.kernel,
    out_type=jax.ShapeDtypeStruct((BATCH * SEQLEN, EMBED), jnp.float32),
    mesh=_MESH,
    scratch_types=[
        pltpu.VMEM((ROWS_PER_WORKER,), jnp.int32),
        pltpu.VMEM_SHARED((SEQLEN, EMBED), jnp.float32),
        pltpu.VMEM((NBUF, SEQLEN, EMBED), jnp.float32),
        pltpu.SemaphoreType.DMA,
        pltpu.SemaphoreType.DMA,
        pltpu.SemaphoreType.DMA,
    ],
)
def _embed_kernel(seq_hbm, table_hbm, pe_hbm, out_hbm, idx_v, pe_sh,
                  rows_v, pe_sem, g_sem, out_sem):
    wid = lax.axis_index("s") * NUM_CORES + lax.axis_index("c")
    row_base = wid * ROWS_PER_WORKER

    pltpu.sync_copy(seq_hbm.at[pl.ds(row_base, ROWS_PER_WORKER)], idx_v)
    @pl.when(lax.axis_index("s") == 0)
    def _():
        pltpu.sync_copy(pe_hbm, rows_v.at[0])
        pltpu.sync_copy(rows_v.at[0], pe_sh)
    plsc.subcore_barrier()

    def init_start(b):
        pltpu.async_copy(pe_sh, rows_v.at[b], pe_sem)

    def init_wait(b):
        pltpu.make_async_copy(pe_sh, rows_v.at[b], pe_sem).wait()

    def gather_start(s, b):
        for off, width in CHUNKS:
            pltpu.async_copy(
                table_hbm.at[idx_v.at[pl.ds(s * SEQLEN + off, width)]],
                rows_v.at[b, pl.ds(off, width)],
                g_sem, add=True,
            )

    def gather_wait(b):
        for off, width in CHUNKS:
            pltpu.make_async_copy(
                table_hbm.at[idx_v.at[pl.ds(off, width)]],
                rows_v.at[b, pl.ds(off, width)], g_sem,
            ).wait()

    def out_start(s, b):
        pltpu.async_copy(
            rows_v.at[b],
            out_hbm.at[pl.ds(row_base + s * SEQLEN, SEQLEN)],
            out_sem,
        )

    def out_wait(b):
        pltpu.make_async_copy(
            rows_v.at[b], out_hbm.at[pl.ds(row_base, SEQLEN)], out_sem,
        ).wait()

    def step(s, b):
        out_wait((b + 2) % NBUF)
        init_start((b + 2) % NBUF)
        init_wait((b + 1) % NBUF)
        gather_start(s + 1, (b + 1) % NBUF)
        gather_wait(b)
        out_start(s, b)

    for b in range(NBUF):
        init_start(b)
    for s in range(3):
        init_wait(s % NBUF)
        gather_start(s, s % NBUF)
    for s in range(2):
        gather_wait(s % NBUF)
        out_start(s, s % NBUF)

    def body(g, carry):
        for k in range(NBUF):
            step(NBUF * g + 2 + k, (2 + k) % NBUF)
        return carry
    lax.fori_loop(0, (SEQS_PER_WORKER - 4) // NBUF, body, 0)

    last = SEQS_PER_WORKER - 2
    init_wait((last + 1) % NBUF)
    gather_start(last + 1, (last + 1) % NBUF)
    for s in (last, last + 1):
        gather_wait(s % NBUF)
        out_start(s, s % NBUF)
    for b in range(NBUF):
        out_wait(b)


def kernel(sequence, token_table):
    seq_flat = jnp.reshape(sequence, (-1,)).astype(jnp.int32)
    pe = _positional_table()
    out = _embed_kernel(seq_flat, token_table, pe)
    return jnp.reshape(out, (BATCH, SEQLEN, EMBED))

# --- scband reference (transcript-rebuilt; emitter-appended) ---
"""Pipeline reference for scband-embedding-40638980554849 (READ-ONLY COPY).

The authoritative reference and input builder live on the scoring server;
editing this copy changes nothing except your own understanding.
"""

import jax, jax.numpy as jnp
import numpy as np

VOCAB = 100000
EMBED = 128


def make_pe(seq_len, d_model):
    position = jnp.arange(seq_len, dtype=jnp.float32)[:, None]
    div_term = jnp.exp(jnp.arange(0, d_model, 2, dtype=jnp.float32) * -(np.log(10000.0) / d_model))
    ang = position * div_term[None, :]
    pe = jnp.zeros((seq_len, d_model), dtype=jnp.float32)
    pe = pe.at[:, 0::2].set(jnp.sin(ang))
    pe = pe.at[:, 1::2].set(jnp.cos(ang))
    return pe


def setup_inputs(seed: int = 0) -> dict:
    key = jax.random.key(seed)
    k1, k2 = jax.random.split(key)
    sequence = jax.random.randint(k1, (1024, 200), 0, VOCAB, dtype=jnp.int64 if jax.config.jax_enable_x64 else jnp.int32)
    token_table = jax.random.normal(k2, (VOCAB, EMBED), dtype=jnp.float32) * 0.02
    # TokenEmbedding uses padding_idx=0 in BERT-pytorch: row 0 is zeros
    token_table = token_table.at[0].set(0.0)
    return {"sequence": sequence, "token_table": token_table}


def reference(sequence, token_table):
    # forward with usedepth=False (default): token embedding + sinusoidal positional embedding
    # dropout is identity at inference
    L = sequence.shape[1]
    tok = jnp.take(token_table, sequence, axis=0)           # [B, L, E] gather
    pe = make_pe(L, token_table.shape[1])                    # [L, E]
    x = tok + pe[None, :, :]
    return x

if __name__ == "__main__":
    import jax
    _d = setup_inputs()
    print(jax.jit(kernel)(*tuple(_d.values())))

</pallas_src>

<mosaic_0001>
#map = affine_map<(d0, d1) -> (0)>
#map1 = affine_map<(d0, d1) -> (0, 0)>
module attributes {stable_mosaic.version = 14 : i64} {
  func.func @_embed_kernel(%arg0: i32, %arg1: i32, %arg2: memref<204800xi32, #tpu.memory_space<hbm>>, %arg3: memref<100000x128xf32, #tpu.memory_space<hbm>>, %arg4: memref<200x128xf32, #tpu.memory_space<hbm>>, %arg5: memref<204800x128xf32, #tpu.memory_space<hbm>>, %arg6: memref<6400xi32, #tpu.memory_space<vmem>>, %arg7: memref<200x128xf32, #tpu.memory_space<vmem_shared>>, %arg8: memref<4x200x128xf32, #tpu.memory_space<vmem>>, %arg9: memref<!tpu.dma_semaphore, #tpu.memory_space<semaphore_mem>>, %arg10: memref<!tpu.dma_semaphore, #tpu.memory_space<semaphore_mem>>, %arg11: memref<!tpu.dma_semaphore, #tpu.memory_space<semaphore_mem>>) attributes {dimension_semantics = [#tpu.dimension_semantics<core_parallel>, #tpu.dimension_semantics<subcore_parallel>], iteration_bounds = array<i64: 2, 16>, scalar_prefetch = 0 : i64, scratch_operands = 6 : i64, tpu.core_type = #tpu.core_type<sc_vector_subcore>, window_params = [{transform_indices = #map}, {transform_indices = #map1}, {transform_indices = #map1}, {transform_indices = #map1}]} {
    %mul3A = arith.constant 2 : i32
    %mul3A_0 = arith.muli %arg1, %mul3A : i32
    %add3A = arith.addi %mul3A_0, %arg0 : i32
    %mul3A_1 = arith.constant 6400 : i32
    %mul3A_2 = arith.muli %add3A, %mul3A_1 : i32
    "tpu.region"() ({
      %run_scoped3A = tpu.sem_alloc : memref<!tpu.dma_semaphore, #tpu.memory_space<semaphore_mem>>
      %dma_start3A_352 = tpu.memref_slice %arg2[%mul3A_2] : memref<204800xi32, #tpu.memory_space<hbm>> -> memref<6400xi32, #tpu.memory_space<hbm>>
      %dma_start3A_353 = tpu.memref_slice %arg2[%mul3A_2] : memref<204800xi32, #tpu.memory_space<hbm>> -> memref<6400xi32, #tpu.memory_space<hbm>>
      tpu.enqueue_dma source(%dma_start3A_353 : memref<6400xi32, #tpu.memory_space<hbm>>) target(%arg6 : memref<6400xi32, #tpu.memory_space<vmem>>) target_semaphore(%run_scoped3A : memref<!tpu.dma_semaphore, #tpu.memory_space<semaphore_mem>>)
      %dma_wait3A_354 = tpu.memref_slice %arg2[%mul3A_2] : memref<204800xi32, #tpu.memory_space<hbm>> -> memref<6400xi32, #tpu.memory_space<hbm>>
      %dma_wait3A_355 = tpu.memref_slice %arg2[%mul3A_2] : memref<204800xi32, #tpu.memory_space<hbm>> -> memref<6400xi32, #tpu.memory_space<hbm>>
      tpu.wait_dma2 semaphore(%run_scoped3A : memref<!tpu.dma_semaphore, #tpu.memory_space<semaphore_mem>>) src(%dma_wait3A_355 : memref<6400xi32, #tpu.memory_space<hbm>>) dst(%arg6 : memref<6400xi32, #tpu.memory_space<vmem>>)
      tpu.yield
    }) : () -> ()
    %eq3A = arith.constant 0 : i32
    %eq3A_3 = arith.cmpi eq, %arg1, %eq3A : i32
    %convert_element_type3A = arith.extui %eq3A_3 : i1 to i32
    %cond3A = arith.constant 0 : i32
    %cond3A_4 = arith.cmpi ne, %convert_element_type3A, %cond3A : i32
    scf.if %cond3A_4 {
      %run_scoped3A = arith.constant 0 : i32
      "tpu.region"() ({
        %run_scoped3A_353 = tpu.sem_alloc : memref<!tpu.dma_semaphore, #tpu.memory_space<semaphore_mem>>
        %dma_start3A_354 = arith.constant 0 : i32
        %dma_start3A_355 = arith.constant 0 : i32
        %dma_start3A_356 = tpu.memref_slice %arg8[%run_scoped3A, %dma_start3A_354, %dma_start3A_355] : memref<4x200x128xf32, #tpu.memory_space<vmem>> -> memref<1x200x128xf32, #tpu.memory_space<vmem>>
        %dma_start3A_357 = tpu.memref_squeeze %dma_start3A_356 : memref<1x200x128xf32, #tpu.memory_space<vmem>> -> memref<200x128xf32, #tpu.memory_space<vmem>>
        %dma_start3A_358 = arith.constant 0 : i32
        %dma_start3A_359 = arith.constant 0 : i32
        %dma_start3A_360 = tpu.memref_slice %arg8[%run_scoped3A, %dma_start3A_358, %dma_start3A_359] : memref<4x200x128xf32, #tpu.memory_space<vmem>> -> memref<1x200x128xf32, #tpu.memory_space<vmem>>
        %dma_start3A_361 = tpu.memref_squeeze %dma_start3A_360 : memref<1x200x128xf32, #tpu.memory_space<vmem>> -> memref<200x128xf32, #tpu.memory_space<vmem>>
        tpu.enqueue_dma source(%arg4 : memref<200x128xf32, #tpu.memory_space<hbm>>) target(%dma_start3A_361 : memref<200x128xf32, #tpu.memory_space<vmem>>) target_semaphore(%run_scoped3A_353 : memref<!tpu.dma_semaphore, #tpu.memory_space<semaphore_mem>>)
        %dma_wait3A_362 = arith.constant 0 : i32
        %dma_wait3A_363 = arith.constant 0 : i32
        %dma_wait3A_364 = tpu.memref_slice %arg8[%run_scoped3A, %dma_wait3A_362, %dma_wait3A_363] : memref<4x200x128xf32, #tpu.memory_space<vmem>> -> memref<1x200x128xf32, #tpu.memory_space<vmem>>
        %dma_wait3A_365 = tpu.memref_squeeze %dma_wait3A_364 : memref<1x200x128xf32, #tpu.memory_space<vmem>> -> memref<200x128xf32, #tpu.memory_space<vmem>>
        %dma_wait3A_366 = arith.constant 0 : i32
        %dma_wait3A_367 = arith.constant 0 : i32
        %dma_wait3A_368 = tpu.memref_slice %arg8[%run_scoped3A, %dma_wait3A_366, %dma_wait3A_367] : memref<4x200x128xf32, #tpu.memory_space<vmem>> -> memref<1x200x128xf32, #tpu.memory_space<vmem>>
        %dma_wait3A_369 = tpu.memref_squeeze %dma_wait3A_368 : memref<1x200x128xf32, #tpu.memory_space<vmem>> -> memref<200x128xf32, #tpu.memory_space<vmem>>
        tpu.wait_dma2 semaphore(%run_scoped3A_353 : memref<!tpu.dma_semaphore, #tpu.memory_space<semaphore_mem>>) src(%arg4 : memref<200x128xf32, #tpu.memory_space<hbm>>) dst(%dma_wait3A_369 : memref<200x128xf32, #tpu.memory_space<vmem>>)
        tpu.yield
      }) : () -> ()
      %run_scoped3A_352 = arith.constant 0 : i32
      "tpu.region"() ({
        %run_scoped3A_353 = tpu.sem_alloc : memref<!tpu.dma_semaphore, #tpu.memory_space<semaphore_mem>>
        %dma_start3A_354 = arith.constant 0 : i32
        %dma_start3A_355 = arith.constant 0 : i32
        %dma_start3A_356 = tpu.memref_slice %arg8[%run_scoped3A_352, %dma_start3A_354, %dma_start3A_355] : memref<4x200x128xf32, #tpu.memory_space<vmem>> -> memref<1x200x128xf32, #tpu.memory_space<vmem>>
        %dma_start3A_357 = tpu.memref_squeeze %dma_start3A_356 : memref<1x200x128xf32, #tpu.memory_space<vmem>> -> memref<200x128xf32, #tpu.memory_space<vmem>>
        %dma_start3A_358 = arith.constant 0 : i32
        %dma_start3A_359 = arith.constant 0 : i32
        %dma_start3A_360 = tpu.memref_slice %arg8[%run_scoped3A_352, %dma_start3A_358, %dma_start3A_359] : memref<4x200x128xf32, #tpu.memory_space<vmem>> -> memref<1x200x128xf32, #tpu.memory_space<vmem>>
        %dma_start3A_361 = tpu.memref_squeeze %dma_start3A_360 : memref<1x200x128xf32, #tpu.memory_space<vmem>> -> memref<200x128xf32, #tpu.memory_space<vmem>>
        tpu.enqueue_dma source(%dma_start3A_361 : memref<200x128xf32, #tpu.memory_space<vmem>>) target(%arg7 : memref<200x128xf32, #tpu.memory_space<vmem_shared>>) target_semaphore(%run_scoped3A_353 : memref<!tpu.dma_semaphore, #tpu.memory_space<semaphore_mem>>)
        %dma_wait3A_362 = arith.constant 0 : i32
        %dma_wait3A_363 = arith.constant 0 : i32
        %dma_wait3A_364 = tpu.memref_slice %arg8[%run_scoped3A_352, %dma_wait3A_362, %dma_wait3A_363] : memref<4x200x128xf32, #tpu.memory_space<vmem>> -> memref<1x200x128xf32, #tpu.memory_space<vmem>>
        %dma_wait3A_365 = tpu.memref_squeeze %dma_wait3A_364 : memref<1x200x128xf32, #tpu.memory_space<vmem>> -> memref<200x128xf32, #tpu.memory_space<vmem>>
        %dma_wait3A_366 = arith.constant 0 : i32
        %dma_wait3A_367 = arith.constant 0 : i32
        %dma_wait3A_368 = tpu.memref_slice %arg8[%run_scoped3A_352, %dma_wait3A_366, %dma_wait3A_367] : memref<4x200x128xf32, #tpu.memory_space<vmem>> -> memref<1x200x128xf32, #tpu.memory_space<vmem>>
        %dma_wait3A_369 = tpu.memref_squeeze %dma_wait3A_368 : memref<1x200x128xf32, #tpu.memory_space<vmem>> -> memref<200x128xf32, #tpu.memory_space<vmem>>
        tpu.wait_dma2 semaphore(%run_scoped3A_353 : memref<!tpu.dma_semaphore, #tpu.memory_space<semaphore_mem>>) src(%dma_wait3A_369 : memref<200x128xf32, #tpu.memory_space<vmem>>) dst(%arg7 : memref<200x128xf32, #tpu.memory_space<vmem_shared>>)
        tpu.yield
      }) : () -> ()
    } else {
    }
    %barrier3A = arith.constant 0 : index
    tpu.barrier barrier_id(%barrier3A)
    %dma_start3A = arith.constant 0 : i32
    %dma_start3A_5 = arith.constant 0 : i32
    %dma_start3A_6 = arith.constant 0 : i32
    %dma_start3A_7 = tpu.memref_slice %arg8[%dma_start3A, %dma_start3A_5, %dma_start3A_6] : memref<4x200x128xf32, #tpu.memory_space<vmem>> -> memref<1x200x128xf32, #tpu.memory_space<vmem>>
    %dma_start3A_8 = tpu.memref_squeeze %dma_start3A_7 : memref<1x200x128xf32, #tpu.memory_space<vmem>> -> memref<200x128xf32, #tpu.memory_space<vmem>>
    %dma_start3A_9 = arith.constant 0 : i32
    %dma_start3A_10 = arith.constant 0 : i32
    %dma_start3A_11 = tpu.memref_slice %arg8[%dma_start3A, %dma_start3A_9, %dma_start3A_10] : memref<4x200x128xf32, #tpu.memory_space<vmem>> -> memref<1x200x128xf32, #tpu.memory_space<vmem>>
    %dma_start3A_12 = tpu.memref_squeeze %dma_start3A_11 : memref<1x200x128xf32, #tpu.memory_space<vmem>> -> memref<200x128xf32, #tpu.memory_space<vmem>>
    tpu.enqueue_dma source(%arg7 : memref<200x128xf32, #tpu.memory_space<vmem_shared>>) target(%dma_start3A_12 : memref<200x128xf32, #tpu.memory_space<vmem>>) target_semaphore(%arg9 : memref<!tpu.dma_semaphore, #tpu.memory_space<semaphore_mem>>)
    %dma_start3A_13 = arith.constant 1 : i32
    %dma_start3A_14 = arith.constant 0 : i32
    %dma_start3A_15 = arith.constant 0 : i32
    %dma_start3A_16 = tpu.memref_slice %arg8[%dma_start3A_13, %dma_start3A_14, %dma_start3A_15] : memref<4x200x128xf32, #tpu.memory_space<vmem>> -> memref<1x200x128xf32, #tpu.memory_space<vmem>>
    %dma_start3A_17 = tpu.memref_squeeze %dma_start3A_16 : memref<1x200x128xf32, #tpu.memory_space<vmem>> -> memref<200x128xf32, #tpu.memory_space<vmem>>
    %dma_start3A_18 = arith.constant 0 : i32
    %dma_start3A_19 = arith.constant 0 : i32
    %dma_start3A_20 = tpu.memref_slice %arg8[%dma_start3A_13, %dma_start3A_18, %dma_start3A_19] : memref<4x200x128xf32, #tpu.memory_space<vmem>> -> memref<1x200x128xf32, #tpu.memory_space<vmem>>
    %dma_start3A_21 = tpu.memref_squeeze %dma_start3A_20 : memref<1x200x128xf32, #tpu.memory_space<vmem>> -> memref<200x128xf32, #tpu.memory_space<vmem>>
    tpu.enqueue_dma source(%arg7 : memref<200x128xf32, #tpu.memory_space<vmem_shared>>) target(%dma_start3A_21 : memref<200x128xf32, #tpu.memory_space<vmem>>) target_semaphore(%arg9 : memref<!tpu.dma_semaphore, #tpu.memory_space<semaphore_mem>>)
    %dma_start3A_22 = arith.constant 2 : i32
    %dma_start3A_23 = arith.constant 0 : i32
    %dma_start3A_24 = arith.constant 0 : i32
    %dma_start3A_25 = tpu.memref_slice %arg8[%dma_start3A_22, %dma_start3A_23, %dma_start3A_24] : memref<4x200x128xf32, #tpu.memory_space<vmem>> -> memref<1x200x128xf32, #tpu.memory_space<vmem>>
    %dma_start3A_26 = tpu.memref_squeeze %dma_start3A_25 : memref<1x200x128xf32, #tpu.memory_space<vmem>> -> memref<200x128xf32, #tpu.memory_space<vmem>>
    %dma_start3A_27 = arith.constant 0 : i32
    %dma_start3A_28 = arith.constant 0 : i32
    %dma_start3A_29 = tpu.memref_slice %arg8[%dma_start3A_22, %dma_start3A_27, %dma_start3A_28] : memref<4x200x128xf32, #tpu.memory_space<vmem>> -> memref<1x200x128xf32, #tpu.memory_space<vmem>>
    %dma_start3A_30 = tpu.memref_squeeze %dma_start3A_29 : memref<1x200x128xf32, #tpu.memory_space<vmem>> -> memref<200x128xf32, #tpu.memory_space<vmem>>
    tpu.enqueue_dma source(%arg7 : memref<200x128xf32, #tpu.memory_space<vmem_shared>>) target(%dma_start3A_30 : memref<200x128xf32, #tpu.memory_space<vmem>>) target_semaphore(%arg9 : memref<!tpu.dma_semaphore, #tpu.memory_space<semaphore_mem>>)
    %dma_start3A_31 = arith.constant 3 : i32
    %dma_start3A_32 = arith.constant 0 : i32
    %dma_start3A_33 = arith.constant 0 : i32
    %dma_start3A_34 = tpu.memref_slice %arg8[%dma_start3A_31, %dma_start3A_32, %dma_start3A_33] : memref<4x200x128xf32, #tpu.memory_space<vmem>> -> memref<1x200x128xf32, #tpu.memory_space<vmem>>
    %dma_start3A_35 = tpu.memref_squeeze %dma_start3A_34 : memref<1x200x128xf32, #tpu.memory_space<vmem>> -> memref<200x128xf32, #tpu.memory_space<vmem>>
    %dma_start3A_36 = arith.constant 0 : i32
    %dma_start3A_37 = arith.constant 0 : i32
    %dma_start3A_38 = tpu.memref_slice %arg8[%dma_start3A_31, %dma_start3A_36, %dma_start3A_37] : memref<4x200x128xf32, #tpu.memory_space<vmem>> -> memref<1x200x128xf32, #tpu.memory_space<vmem>>
    %dma_start3A_39 = tpu.memref_squeeze %dma_start3A_38 : memref<1x200x128xf32, #tpu.memory_space<vmem>> -> memref<200x128xf32, #tpu.memory_space<vmem>>
    tpu.enqueue_dma source(%arg7 : memref<200x128xf32, #tpu.memory_space<vmem_shared>>) target(%dma_start3A_39 : memref<200x128xf32, #tpu.memory_space<vmem>>) target_semaphore(%arg9 : memref<!tpu.dma_semaphore, #tpu.memory_space<semaphore_mem>>)
    %dma_wait3A = arith.constant 0 : i32
    %dma_wait3A_40 = arith.constant 0 : i32
    %dma_wait3A_41 = arith.constant 0 : i32
    %dma_wait3A_42 = tpu.memref_slice %arg8[%dma_wait3A, %dma_wait3A_40, %dma_wait3A_41] : memref<4x200x128xf32, #tpu.memory_space<vmem>> -> memref<1x200x128xf32, #tpu.memory_space<vmem>>
    %dma_wait3A_43 = tpu.memref_squeeze %dma_wait3A_42 : memref<1x200x128xf32, #tpu.memory_space<vmem>> -> memref<200x128xf32, #tpu.memory_space<vmem>>
    %dma_wait3A_44 = arith.constant 0 : i32
    %dma_wait3A_45 = arith.constant 0 : i32
    %dma_wait3A_46 = tpu.memref_slice %arg8[%dma_wait3A, %dma_wait3A_44, %dma_wait3A_45] : memref<4x200x128xf32, #tpu.memory_space<vmem>> -> memref<1x200x128xf32, #tpu.memory_space<vmem>>
    %dma_wait3A_47 = tpu.memref_squeeze %dma_wait3A_46 : memref<1x200x128xf32, #tpu.memory_space<vmem>> -> memref<200x128xf32, #tpu.memory_space<vmem>>
    tpu.wait_dma2 semaphore(%arg9 : memref<!tpu.dma_semaphore, #tpu.memory_space<semaphore_mem>>) src(%arg7 : memref<200x128xf32, #tpu.memory_space<vmem_shared>>) dst(%dma_wait3A_47 : memref<200x128xf32, #tpu.memory_space<vmem>>)
    %dma_start3A_48 = arith.constant 0 : i32
    %dma_start3A_49 = arith.constant 0 : i32
    %dma_start3A_50 = arith.constant 0 : i32
    %dma_start3A_51 = tpu.memref_slice %arg8[%dma_start3A_48, %dma_start3A_49, %dma_start3A_50] : memref<4x200x128xf32, #tpu.memory_space<vmem>> -> memref<1x120x128xf32, #tpu.memory_space<vmem>>
    %dma_start3A_52 = tpu.memref_squeeze %dma_start3A_51 : memref<1x120x128xf32, #tpu.memory_space<vmem>> -> memref<120x128xf32, #tpu.memory_space<vmem>>
    %dma_start3A_53 = arith.constant 0 : i32
    %dma_start3A_54 = tpu.memref_slice %arg6[%dma_start3A_53] : memref<6400xi32, #tpu.memory_space<vmem>> -> memref<120xi32, #tpu.memory_space<vmem>>
    %dma_start3A_55 = arith.constant 0 : i32
    %dma_start3A_56 = arith.constant 0 : i32
    %dma_start3A_57 = tpu.memref_slice %arg3[%dma_start3A_55, %dma_start3A_56] : memref<100000x128xf32, #tpu.memory_space<hbm>> -> memref<100000x128xf32, #tpu.memory_space<hbm>>
    tpu.enqueue_indirect_dma source(%dma_start3A_57 : memref<100000x128xf32, #tpu.memory_space<hbm>>) target(%dma_start3A_52 : memref<120x128xf32, #tpu.memory_space<vmem>>) offsets(%dma_start3A_54 : memref<120xi32, #tpu.memory_space<vmem>>) semaphore(%arg10 : memref<!tpu.dma_semaphore, #tpu.memory_space<semaphore_mem>>) {add = true}
    %dma_start3A_58 = arith.constant 0 : i32
    %dma_start3A_59 = arith.constant 120 : i32
    %dma_start3A_60 = arith.constant 0 : i32
    %dma_start3A_61 = tpu.memref_slice %arg8[%dma_start3A_58, %dma_start3A_59, %dma_start3A_60] : memref<4x200x128xf32, #tpu.memory_space<vmem>> -> memref<1x80x128xf32, #tpu.memory_space<vmem>>
    %dma_start3A_62 = tpu.memref_squeeze %dma_start3A_61 : memref<1x80x128xf32, #tpu.memory_space<vmem>> -> memref<80x128xf32, #tpu.memory_space<vmem>>
    %dma_start3A_63 = arith.constant 120 : i32
    %dma_start3A_64 = tpu.memref_slice %arg6[%dma_start3A_63] : memref<6400xi32, #tpu.memory_space<vmem>> -> memref<80xi32, #tpu.memory_space<vmem>>
    %dma_start3A_65 = arith.constant 0 : i32
    %dma_start3A_66 = arith.constant 0 : i32
    %dma_start3A_67 = tpu.memref_slice %arg3[%dma_start3A_65, %dma_start3A_66] : memref<100000x128xf32, #tpu.memory_space<hbm>> -> memref<100000x128xf32, #tpu.memory_space<hbm>>
    tpu.enqueue_indirect_dma source(%dma_start3A_67 : memref<100000x128xf32, #tpu.memory_space<hbm>>) target(%dma_start3A_62 : memref<80x128xf32, #tpu.memory_space<vmem>>) offsets(%dma_start3A_64 : memref<80xi32, #tpu.memory_space<vmem>>) semaphore(%arg10 : memref<!tpu.dma_semaphore, #tpu.memory_space<semaphore_mem>>) {add = true}
    %dma_wait3A_68 = arith.constant 1 : i32
    %dma_wait3A_69 = arith.constant 0 : i32
    %dma_wait3A_70 = arith.constant 0 : i32
    %dma_wait3A_71 = tpu.memref_slice %arg8[%dma_wait3A_68, %dma_wait3A_69, %dma_wait3A_70] : memref<4x200x128xf32, #tpu.memory_space<vmem>> -> memref<1x200x128xf32, #tpu.memory_space<vmem>>
    %dma_wait3A_72 = tpu.memref_squeeze %dma_wait3A_71 : memref<1x200x128xf32, #tpu.memory_space<vmem>> -> memref<200x128xf32, #tpu.memory_space<vmem>>
    %dma_wait3A_73 = arith.constant 0 : i32
    %dma_wait3A_74 = arith.constant 0 : i32
    %dma_wait3A_75 = tpu.memref_slice %arg8[%dma_wait3A_68, %dma_wait3A_73, %dma_wait3A_74] : memref<4x200x128xf32, #tpu.memory_space<vmem>> -> memref<1x200x128xf32, #tpu.memory_space<vmem>>
    %dma_wait3A_76 = tpu.memref_squeeze %dma_wait3A_75 : memref<1x200x128xf32, #tpu.memory_space<vmem>> -> memref<200x128xf32, #tpu.memory_space<vmem>>
    tpu.wait_dma2 semaphore(%arg9 : memref<!tpu.dma_semaphore, #tpu.memory_space<semaphore_mem>>) src(%arg7 : memref<200x128xf32, #tpu.memory_space<vmem_shared>>) dst(%dma_wait3A_76 : memref<200x128xf32, #tpu.memory_space<vmem>>)
    %dma_start3A_77 = arith.constant 1 : i32
    %dma_start3A_78 = arith.constant 0 : i32
    %dma_start3A_79 = arith.constant 0 : i32
    %dma_start3A_80 = tpu.memref_slice %arg8[%dma_start3A_77, %dma_start3A_78, %dma_start3A_79] : memref<4x200x128xf32, #tpu.memory_space<vmem>> -> memref<1x120x128xf32, #tpu.memory_space<vmem>>
    %dma_start3A_81 = tpu.memref_squeeze %dma_start3A_80 : memref<1x120x128xf32, #tpu.memory_space<vmem>> -> memref<120x128xf32, #tpu.memory_space<vmem>>
    %dma_start3A_82 = arith.constant 200 : i32
    %dma_start3A_83 = tpu.memref_slice %arg6[%dma_start3A_82] : memref<6400xi32, #tpu.memory_space<vmem>> -> memref<120xi32, #tpu.memory_space<vmem>>
    %dma_start3A_84 = arith.constant 0 : i32
    %dma_start3A_85 = arith.constant 0 : i32
    %dma_start3A_86 = tpu.memref_slice %arg3[%dma_start3A_84, %dma_start3A_85] : memref<100000x128xf32, #tpu.memory_space<hbm>> -> memref<100000x128xf32, #tpu.memory_space<hbm>>
    tpu.enqueue_indirect_dma source(%dma_start3A_86 : memref<100000x128xf32, #tpu.memory_space<hbm>>) target(%dma_start3A_81 : memref<120x128xf32, #tpu.memory_space<vmem>>) offsets(%dma_start3A_83 : memref<120xi32, #tpu.memory_space<vmem>>) semaphore(%arg10 : memref<!tpu.dma_semaphore, #tpu.memory_space<semaphore_mem>>) {add = true}
    %dma_start3A_87 = arith.constant 1 : i32
    %dma_start3A_88 = arith.constant 120 : i32
    %dma_start3A_89 = arith.constant 0 : i32
    %dma_start3A_90 = tpu.memref_slice %arg8[%dma_start3A_87, %dma_start3A_88, %dma_start3A_89] : memref<4x200x128xf32, #tpu.memory_space<vmem>> -> memref<1x80x128xf32, #tpu.memory_space<vmem>>
    %dma_start3A_91 = tpu.memref_squeeze %dma_start3A_90 : memref<1x80x128xf32, #tpu.memory_space<vmem>> -> memref<80x128xf32, #tpu.memory_space<vmem>>
    %dma_start3A_92 = arith.constant 320 : i32
    %dma_start3A_93 = tpu.memref_slice %arg6[%dma_start3A_92] : memref<6400xi32, #tpu.memory_space<vmem>> -> memref<80xi32, #tpu.memory_space<vmem>>
    %dma_start3A_94 = arith.constant 0 : i32
    %dma_start3A_95 = arith.constant 0 : i32
    %dma_start3A_96 = tpu.memref_slice %arg3[%dma_start3A_94, %dma_start3A_95] : memref<100000x128xf32, #tpu.memory_space<hbm>> -> memref<100000x128xf32, #tpu.memory_space<hbm>>
    tpu.enqueue_indirect_dma source(%dma_start3A_96 : memref<100000x128xf32, #tpu.memory_space<hbm>>) target(%dma_start3A_91 : memref<80x128xf32, #tpu.memory_space<vmem>>) offsets(%dma_start3A_93 : memref<80xi32, #tpu.memory_space<vmem>>) semaphore(%arg10 : memref<!tpu.dma_semaphore, #tpu.memory_space<semaphore_mem>>) {add = true}
    %dma_wait3A_97 = arith.constant 2 : i32
    %dma_wait3A_98 = arith.constant 0 : i32
    %dma_wait3A_99 = arith.constant 0 : i32
    %dma_wait3A_100 = tpu.memref_slice %arg8[%dma_wait3A_97, %dma_wait3A_98, %dma_wait3A_99] : memref<4x200x128xf32, #tpu.memory_space<vmem>> -> memref<1x200x128xf32, #tpu.memory_space<vmem>>
    %dma_wait3A_101 = tpu.memref_squeeze %dma_wait3A_100 : memref<1x200x128xf32, #tpu.memory_space<vmem>> -> memref<200x128xf32, #tpu.memory_space<vmem>>
    %dma_wait3A_102 = arith.constant 0 : i32
    %dma_wait3A_103 = arith.constant 0 : i32
    %dma_wait3A_104 = tpu.memref_slice %arg8[%dma_wait3A_97, %dma_wait3A_102, %dma_wait3A_103] : memref<4x200x128xf32, #tpu.memory_space<vmem>> -> memref<1x200x128xf32, #tpu.memory_space<vmem>>
    %dma_wait3A_105 = tpu.memref_squeeze %dma_wait3A_104 : memref<1x200x128xf32, #tpu.memory_space<vmem>> -> memref<200x128xf32, #tpu.memory_space<vmem>>
    tpu.wait_dma2 semaphore(%arg9 : memref<!tpu.dma_semaphore, #tpu.memory_space<semaphore_mem>>) src(%arg7 : memref<200x128xf32, #tpu.memory_space<vmem_shared>>) dst(%dma_wait3A_105 : memref<200x128xf32, #tpu.memory_space<vmem>>)
    %dma_start3A_106 = arith.constant 2 : i32
    %dma_start3A_107 = arith.constant 0 : i32
    %dma_start3A_108 = arith.constant 0 : i32
    %dma_start3A_109 = tpu.memref_slice %arg8[%dma_start3A_106, %dma_start3A_107, %dma_start3A_108] : memref<4x200x128xf32, #tpu.memory_space<vmem>> -> memref<1x120x128xf32, #tpu.memory_space<vmem>>
    %dma_start3A_110 = tpu.memref_squeeze %dma_start3A_109 : memref<1x120x128xf32, #tpu.memory_space<vmem>> -> memref<120x128xf32, #tpu.memory_space<vmem>>
    %dma_start3A_111 = arith.constant 400 : i32
    %dma_start3A_112 = tpu.memref_slice %arg6[%dma_start3A_111] : memref<6400xi32, #tpu.memory_space<vmem>> -> memref<120xi32, #tpu.memory_space<vmem>>
    %dma_start3A_113 = arith.constant 0 : i32
    %dma_start3A_114 = arith.constant 0 : i32
    %dma_start3A_115 = tpu.memref_slice %arg3[%dma_start3A_113, %dma_start3A_114] : memref<100000x128xf32, #tpu.memory_space<hbm>> -> memref<100000x128xf32, #tpu.memory_space<hbm>>
    tpu.enqueue_indirect_dma source(%dma_start3A_115 : memref<100000x128xf32, #tpu.memory_space<hbm>>) target(%dma_start3A_110 : memref<120x128xf32, #tpu.memory_space<vmem>>) offsets(%dma_start3A_112 : memref<120xi32, #tpu.memory_space<vmem>>) semaphore(%arg10 : memref<!tpu.dma_semaphore, #tpu.memory_space<semaphore_mem>>) {add = true}
    %dma_start3A_116 = arith.constant 2 : i32
    %dma_start3A_117 = arith.constant 120 : i32
    %dma_start3A_118 = arith.constant 0 : i32
    %dma_start3A_119 = tpu.memref_slice %arg8[%dma_start3A_116, %dma_start3A_117, %dma_start3A_118] : memref<4x200x128xf32, #tpu.memory_space<vmem>> -> memref<1x80x128xf32, #tpu.memory_space<vmem>>
    %dma_start3A_120 = tpu.memref_squeeze %dma_start3A_119 : memref<1x80x128xf32, #tpu.memory_space<vmem>> -> memref<80x128xf32, #tpu.memory_space<vmem>>
    %dma_start3A_121 = arith.constant 520 : i32
    %dma_start3A_122 = tpu.memref_slice %arg6[%dma_start3A_121] : memref<6400xi32, #tpu.memory_space<vmem>> -> memref<80xi32, #tpu.memory_space<vmem>>
    %dma_start3A_123 = arith.constant 0 : i32
    %dma_start3A_124 = arith.constant 0 : i32
    %dma_start3A_125 = tpu.memref_slice %arg3[%dma_start3A_123, %dma_start3A_124] : memref<100000x128xf32, #tpu.memory_space<hbm>> -> memref<100000x128xf32, #tpu.memory_space<hbm>>
    tpu.enqueue_indirect_dma source(%dma_start3A_125 : memref<100000x128xf32, #tpu.memory_space<hbm>>) target(%dma_start3A_120 : memref<80x128xf32, #tpu.memory_space<vmem>>) offsets(%dma_start3A_122 : memref<80xi32, #tpu.memory_space<vmem>>) semaphore(%arg10 : memref<!tpu.dma_semaphore, #tpu.memory_space<semaphore_mem>>) {add = true}
    %dma_wait3A_126 = arith.constant 0 : i32
    %dma_wait3A_127 = arith.constant 0 : i32
    %dma_wait3A_128 = arith.constant 0 : i32
    %dma_wait3A_129 = tpu.memref_slice %arg8[%dma_wait3A_126, %dma_wait3A_127, %dma_wait3A_128] : memref<4x200x128xf32, #tpu.memory_space<vmem>> -> memref<1x120x128xf32, #tpu.memory_space<vmem>>
    %dma_wait3A_130 = tpu.memref_squeeze %dma_wait3A_129 : memref<1x120x128xf32, #tpu.memory_space<vmem>> -> memref<120x128xf32, #tpu.memory_space<vmem>>
    %dma_wait3A_131 = arith.constant 0 : i32
    %dma_wait3A_132 = tpu.memref_slice %arg6[%dma_wait3A_131] : memref<6400xi32, #tpu.memory_space<vmem>> -> memref<120xi32, #tpu.memory_space<vmem>>
    %dma_wait3A_133 = arith.constant 0 : i32
    %dma_wait3A_134 = arith.constant 0 : i32
    %dma_wait3A_135 = tpu.memref_slice %arg3[%dma_wait3A_133, %dma_wait3A_134] : memref<100000x128xf32, #tpu.memory_space<hbm>> -> memref<100000x128xf32, #tpu.memory_space<hbm>>
    tpu.wait_indirect_dma semaphore(%arg10 : memref<!tpu.dma_semaphore, #tpu.memory_space<semaphore_mem>>) src(%dma_wait3A_135 : memref<100000x128xf32, #tpu.memory_space<hbm>>) dst(%dma_wait3A_130 : memref<120x128xf32, #tpu.memory_space<vmem>>)
    %dma_wait3A_136 = arith.constant 0 : i32
    %dma_wait3A_137 = arith.constant 120 : i32
    %dma_wait3A_138 = arith.constant 0 : i32
    %dma_wait3A_139 = tpu.memref_slice %arg8[%dma_wait3A_136, %dma_wait3A_137, %dma_wait3A_138] : memref<4x200x128xf32, #tpu.memory_space<vmem>> -> memref<1x80x128xf32, #tpu.memory_space<vmem>>
    %dma_wait3A_140 = tpu.memref_squeeze %dma_wait3A_139 : memref<1x80x128xf32, #tpu.memory_space<vmem>> -> memref<80x128xf32, #tpu.memory_space<vmem>>
    %dma_wait3A_141 = arith.constant 120 : i32
    %dma_wait3A_142 = tpu.memref_slice %arg6[%dma_wait3A_141] : memref<6400xi32, #tpu.memory_space<vmem>> -> memref<80xi32, #tpu.memory_space<vmem>>
    %dma_wait3A_143 = arith.constant 0 : i32
    %dma_wait3A_144 = arith.constant 0 : i32
    %dma_wait3A_145 = tpu.memref_slice %arg3[%dma_wait3A_143, %dma_wait3A_144] : memref<100000x128xf32, #tpu.memory_space<hbm>> -> memref<100000x128xf32, #tpu.memory_space<hbm>>
    tpu.wait_indirect_dma semaphore(%arg10 : memref<!tpu.dma_semaphore, #tpu.memory_space<semaphore_mem>>) src(%dma_wait3A_145 : memref<100000x128xf32, #tpu.memory_space<hbm>>) dst(%dma_wait3A_140 : memref<80x128xf32, #tpu.memory_space<vmem>>)
    %add3A_146 = arith.constant 0 : i32
    %add3A_147 = arith.addi %mul3A_2, %add3A_146 : i32
    %dma_start3A_148 = arith.constant 0 : i32
    %dma_start3A_149 = arith.constant 0 : i32
    %dma_start3A_150 = arith.constant 0 : i32
    %dma_start3A_151 = tpu.memref_slice %arg8[%dma_start3A_148, %dma_start3A_149, %dma_start3A_150] : memref<4x200x128xf32, #tpu.memory_space<vmem>> -> memref<1x200x128xf32, #tpu.memory_space<vmem>>
    %dma_start3A_152 = tpu.memref_squeeze %dma_start3A_151 : memref<1x200x128xf32, #tpu.memory_space<vmem>> -> memref<200x128xf32, #tpu.memory_space<vmem>>
    %dma_start3A_153 = arith.constant 0 : i32
    %dma_start3A_154 = tpu.memref_slice %arg5[%add3A_147, %dma_start3A_153] : memref<204800x128xf32, #tpu.memory_space<hbm>> -> memref<200x128xf32, #tpu.memory_space<hbm>>
    %dma_start3A_155 = arith.constant 0 : i32
    %dma_start3A_156 = tpu.memref_slice %arg5[%add3A_147, %dma_start3A_155] : memref<204800x128xf32, #tpu.memory_space<hbm>> -> memref<200x128xf32, #tpu.memory_space<hbm>>
    %dma_start3A_157 = arith.constant 0 : i32
    %dma_start3A_158 = arith.constant 0 : i32
    %dma_start3A_159 = tpu.memref_slice %arg8[%dma_start3A_148, %dma_start3A_157, %dma_start3A_158] : memref<4x200x128xf32, #tpu.memory_space<vmem>> -> memref<1x200x128xf32, #tpu.memory_space<vmem>>
    %dma_start3A_160 = tpu.memref_squeeze %dma_start3A_159 : memref<1x200x128xf32, #tpu.memory_space<vmem>> -> memref<200x128xf32, #tpu.memory_space<vmem>>
    tpu.enqueue_dma source(%dma_start3A_160 : memref<200x128xf32, #tpu.memory_space<vmem>>) target(%dma_start3A_156 : memref<200x128xf32, #tpu.memory_space<hbm>>) target_semaphore(%arg11 : memref<!tpu.dma_semaphore, #tpu.memory_space<semaphore_mem>>)
    %dma_wait3A_161 = arith.constant 1 : i32
    %dma_wait3A_162 = arith.constant 0 : i32
    %dma_wait3A_163 = arith.constant 0 : i32
    %dma_wait3A_164 = tpu.memref_slice %arg8[%dma_wait3A_161, %dma_wait3A_162, %dma_wait3A_163] : memref<4x200x128xf32, #tpu.memory_space<vmem>> -> memref<1x120x128xf32, #tpu.memory_space<vmem>>
    %dma_wait3A_165 = tpu.memref_squeeze %dma_wait3A_164 : memref<1x120x128xf32, #tpu.memory_space<vmem>> -> memref<120x128xf32, #tpu.memory_space<vmem>>
    %dma_wait3A_166 = arith.constant 0 : i32
    %dma_wait3A_167 = tpu.memref_slice %arg6[%dma_wait3A_166] : memref<6400xi32, #tpu.memory_space<vmem>> -> memref<120xi32, #tpu.memory_space<vmem>>
    %dma_wait3A_168 = arith.constant 0 : i32
    %dma_wait3A_169 = arith.constant 0 : i32
    %dma_wait3A_170 = tpu.memref_slice %arg3[%dma_wait3A_168, %dma_wait3A_169] : memref<100000x128xf32, #tpu.memory_space<hbm>> -> memref<100000x128xf32, #tpu.memory_space<hbm>>
    tpu.wait_indirect_dma semaphore(%arg10 : memref<!tpu.dma_semaphore, #tpu.memory_space<semaphore_mem>>) src(%dma_wait3A_170 : memref<100000x128xf32, #tpu.memory_space<hbm>>) dst(%dma_wait3A_165 : memref<120x128xf32, #tpu.memory_space<vmem>>)
    %dma_wait3A_171 = arith.constant 1 : i32
    %dma_wait3A_172 = arith.constant 120 : i32
    %dma_wait3A_173 = arith.constant 0 : i32
    %dma_wait3A_174 = tpu.memref_slice %arg8[%dma_wait3A_171, %dma_wait3A_172, %dma_wait3A_173] : memref<4x200x128xf32, #tpu.memory_space<vmem>> -> memref<1x80x128xf32, #tpu.memory_space<vmem>>
    %dma_wait3A_175 = tpu.memref_squeeze %dma_wait3A_174 : memref<1x80x128xf32, #tpu.memory_space<vmem>> -> memref<80x128xf32, #tpu.memory_space<vmem>>
    %dma_wait3A_176 = arith.constant 120 : i32
    %dma_wait3A_177 = tpu.memref_slice %arg6[%dma_wait3A_176] : memref<6400xi32, #tpu.memory_space<vmem>> -> memref<80xi32, #tpu.memory_space<vmem>>
    %dma_wait3A_178 = arith.constant 0 : i32
    %dma_wait3A_179 = arith.constant 0 : i32
    %dma_wait3A_180 = tpu.memref_slice %arg3[%dma_wait3A_178, %dma_wait3A_179] : memref<100000x128xf32, #tpu.memory_space<hbm>> -> memref<100000x128xf32, #tpu.memory_space<hbm>>
    tpu.wait_indirect_dma semaphore(%arg10 : memref<!tpu.dma_semaphore, #tpu.memory_space<semaphore_mem>>) src(%dma_wait3A_180 : memref<100000x128xf32, #tpu.memory_space<hbm>>) dst(%dma_wait3A_175 : memref<80x128xf32, #tpu.memory_space<vmem>>)
    %add3A_181 = arith.constant 200 : i32
    %add3A_182 = arith.addi %mul3A_2, %add3A_181 : i32
    %dma_start3A_183 = arith.constant 1 : i32
    %dma_start3A_184 = arith.constant 0 : i32
    %dma_start3A_185 = arith.constant 0 : i32
    %dma_start3A_186 = tpu.memref_slice %arg8[%dma_start3A_183, %dma_start3A_184, %dma_start3A_185] : memref<4x200x128xf32, #tpu.memory_space<vmem>> -> memref<1x200x128xf32, #tpu.memory_space<vmem>>
    %dma_start3A_187 = tpu.memref_squeeze %dma_start3A_186 : memref<1x200x128xf32, #tpu.memory_space<vmem>> -> memref<200x128xf32, #tpu.memory_space<vmem>>
    %dma_start3A_188 = arith.constant 0 : i32
    %dma_start3A_189 = tpu.memref_slice %arg5[%add3A_182, %dma_start3A_188] : memref<204800x128xf32, #tpu.memory_space<hbm>> -> memref<200x128xf32, #tpu.memory_space<hbm>>
    %dma_start3A_190 = arith.constant 0 : i32
    %dma_start3A_191 = tpu.memref_slice %arg5[%add3A_182, %dma_start3A_190] : memref<204800x128xf32, #tpu.memory_space<hbm>> -> memref<200x128xf32, #tpu.memory_space<hbm>>
    %dma_start3A_192 = arith.constant 0 : i32
    %dma_start3A_193 = arith.constant 0 : i32
    %dma_start3A_194 = tpu.memref_slice %arg8[%dma_start3A_183, %dma_start3A_192, %dma_start3A_193] : memref<4x200x128xf32, #tpu.memory_space<vmem>> -> memref<1x200x128xf32, #tpu.memory_space<vmem>>
    %dma_start3A_195 = tpu.memref_squeeze %dma_start3A_194 : memref<1x200x128xf32, #tpu.memory_space<vmem>> -> memref<200x128xf32, #tpu.memory_space<vmem>>
    tpu.enqueue_dma source(%dma_start3A_195 : memref<200x128xf32, #tpu.memory_space<vmem>>) target(%dma_start3A_191 : memref<200x128xf32, #tpu.memory_space<hbm>>) target_semaphore(%arg11 : memref<!tpu.dma_semaphore, #tpu.memory_space<semaphore_mem>>)
    %scan3A = arith.constant 0 : i32
    %scan3A_196 = arith.constant 0 : i32
    %scan3A_197 = arith.constant 7 : i32
    %scan3A_198 = arith.addi %scan3A_196, %scan3A_197 : i32
    %scan3A_199 = arith.constant 1 : i32
    scf.for %scan3A_352 = %scan3A_196 to %scan3A_198 step %scan3A_199  : i32 {
      %mul3A_353 = arith.constant 4 : i32
      %mul3A_354 = arith.muli %mul3A_353, %scan3A_352 : i32
      %add3A_355 = arith.constant 2 : i32
      %add3A_356 = arith.addi %mul3A_354, %add3A_355 : i32
      %add3A_357 = arith.constant 0 : i32
      %add3A_358 = arith.addi %add3A_356, %add3A_357 : i32
      %dma_wait3A_359 = arith.constant 0 : i32
      %dma_wait3A_360 = arith.constant 0 : i32
      %dma_wait3A_361 = arith.constant 0 : i32
      %dma_wait3A_362 = tpu.memref_slice %arg8[%dma_wait3A_359, %dma_wait3A_360, %dma_wait3A_361] : memref<4x200x128xf32, #tpu.memory_space<vmem>> -> memref<1x200x128xf32, #tpu.memory_space<vmem>>
      %dma_wait3A_363 = tpu.memref_squeeze %dma_wait3A_362 : memref<1x200x128xf32, #tpu.memory_space<vmem>> -> memref<200x128xf32, #tpu.memory_space<vmem>>
      %dma_wait3A_364 = arith.constant 0 : i32
      %dma_wait3A_365 = tpu.memref_slice %arg5[%mul3A_2, %dma_wait3A_364] : memref<204800x128xf32, #tpu.memory_space<hbm>> -> memref<200x128xf32, #tpu.memory_space<hbm>>
      %dma_wait3A_366 = arith.constant 0 : i32
      %dma_wait3A_367 = tpu.memref_slice %arg5[%mul3A_2, %dma_wait3A_366] : memref<204800x128xf32, #tpu.memory_space<hbm>> -> memref<200x128xf32, #tpu.memory_space<hbm>>
      %dma_wait3A_368 = arith.constant 0 : i32
      %dma_wait3A_369 = arith.constant 0 : i32
      %dma_wait3A_370 = tpu.memref_slice %arg8[%dma_wait3A_359, %dma_wait3A_368, %dma_wait3A_369] : memref<4x200x128xf32, #tpu.memory_space<vmem>> -> memref<1x200x128xf32, #tpu.memory_space<vmem>>
      %dma_wait3A_371 = tpu.memref_squeeze %dma_wait3A_370 : memref<1x200x128xf32, #tpu.memory_space<vmem>> -> memref<200x128xf32, #tpu.memory_space<vmem>>
      tpu.wait_dma2 semaphore(%arg11 : memref<!tpu.dma_semaphore, #tpu.memory_space<semaphore_mem>>) src(%dma_wait3A_371 : memref<200x128xf32, #tpu.memory_space<vmem>>) dst(%dma_wait3A_367 : memref<200x128xf32, #tpu.memory_space<hbm>>)
      %dma_start3A_372 = arith.constant 0 : i32
      %dma_start3A_373 = arith.constant 0 : i32
      %dma_start3A_374 = arith.constant 0 : i32
      %dma_start3A_375 = tpu.memref_slice %arg8[%dma_start3A_372, %dma_start3A_373, %dma_start3A_374] : memref<4x200x128xf32, #tpu.memory_space<vmem>> -> memref<1x200x128xf32, #tpu.memory_space<vmem>>
      %dma_start3A_376 = tpu.memref_squeeze %dma_start3A_375 : memref<1x200x128xf32, #tpu.memory_space<vmem>> -> memref<200x128xf32, #tpu.memory_space<vmem>>
      %dma_start3A_377 = arith.constant 0 : i32
      %dma_start3A_378 = arith.constant 0 : i32
      %dma_start3A_379 = tpu.memref_slice %arg8[%dma_start3A_372, %dma_start3A_377, %dma_start3A_378] : memref<4x200x128xf32, #tpu.memory_space<vmem>> -> memref<1x200x128xf32, #tpu.memory_space<vmem>>
      %dma_start3A_380 = tpu.memref_squeeze %dma_start3A_379 : memref<1x200x128xf32, #tpu.memory_space<vmem>> -> memref<200x128xf32, #tpu.memory_space<vmem>>
      tpu.enqueue_dma source(%arg7 : memref<200x128xf32, #tpu.memory_space<vmem_shared>>) target(%dma_start3A_380 : memref<200x128xf32, #tpu.memory_space<vmem>>) target_semaphore(%arg9 : memref<!tpu.dma_semaphore, #tpu.memory_space<semaphore_mem>>)
      %dma_wait3A_381 = arith.constant 3 : i32
      %dma_wait3A_382 = arith.constant 0 : i32
      %dma_wait3A_383 = arith.constant 0 : i32
      %dma_wait3A_384 = tpu.memref_slice %arg8[%dma_wait3A_381, %dma_wait3A_382, %dma_wait3A_383] : memref<4x200x128xf32, #tpu.memory_space<vmem>> -> memref<1x200x128xf32, #tpu.memory_space<vmem>>
      %dma_wait3A_385 = tpu.memref_squeeze %dma_wait3A_384 : memref<1x200x128xf32, #tpu.memory_space<vmem>> -> memref<200x128xf32, #tpu.memory_space<vmem>>
      %dma_wait3A_386 = arith.constant 0 : i32
      %dma_wait3A_387 = arith.constant 0 : i32
      %dma_wait3A_388 = tpu.memref_slice %arg8[%dma_wait3A_381, %dma_wait3A_386, %dma_wait3A_387] : memref<4x200x128xf32, #tpu.memory_space<vmem>> -> memref<1x200x128xf32, #tpu.memory_space<vmem>>
      %dma_wait3A_389 = tpu.memref_squeeze %dma_wait3A_388 : memref<1x200x128xf32, #tpu.memory_space<vmem>> -> memref<200x128xf32, #tpu.memory_space<vmem>>
      tpu.wait_dma2 semaphore(%arg9 : memref<!tpu.dma_semaphore, #tpu.memory_space<semaphore_mem>>) src(%arg7 : memref<200x128xf32, #tpu.memory_space<vmem_shared>>) dst(%dma_wait3A_389 : memref<200x128xf32, #tpu.memory_space<vmem>>)
      %add3A_390 = arith.constant 1 : i32
      %add3A_391 = arith.addi %add3A_358, %add3A_390 : i32
      %mul3A_392 = arith.constant 200 : i32
      %mul3A_393 = arith.muli %add3A_391, %mul3A_392 : i32
      %add3A_394 = arith.constant 0 : i32
      %add3A_395 = arith.addi %mul3A_393, %add3A_394 : i32
      %dma_start3A_396 = arith.constant 3 : i32
      %dma_start3A_397 = arith.constant 0 : i32
      %dma_start3A_398 = arith.constant 0 : i32
      %dma_start3A_399 = tpu.memref_slice %arg8[%dma_start3A_396, %dma_start3A_397, %dma_start3A_398] : memref<4x200x128xf32, #tpu.memory_space<vmem>> -> memref<1x120x128xf32, #tpu.memory_space<vmem>>
      %dma_start3A_400 = tpu.memref_squeeze %dma_start3A_399 : memref<1x120x128xf32, #tpu.memory_space<vmem>> -> memref<120x128xf32, #tpu.memory_space<vmem>>
      %dma_start3A_401 = tpu.memref_slice %arg6[%add3A_395] : memref<6400xi32, #tpu.memory_space<vmem>> -> memref<120xi32, #tpu.memory_space<vmem>>
      %dma_start3A_402 = arith.constant 0 : i32
      %dma_start3A_403 = arith.constant 0 : i32
      %dma_start3A_404 = tpu.memref_slice %arg3[%dma_start3A_402, %dma_start3A_403] : memref<100000x128xf32, #tpu.memory_space<hbm>> -> memref<100000x128xf32, #tpu.memory_space<hbm>>
      tpu.enqueue_indirect_dma source(%dma_start3A_404 : memref<100000x128xf32, #tpu.memory_space<hbm>>) target(%dma_start3A_400 : memref<120x128xf32, #tpu.memory_space<vmem>>) offsets(%dma_start3A_401 : memref<120xi32, #tpu.memory_space<vmem>>) semaphore(%arg10 : memref<!tpu.dma_semaphore, #tpu.memory_space<semaphore_mem>>) {add = true}
      %mul3A_405 = arith.constant 200 : i32
      %mul3A_406 = arith.muli %add3A_391, %mul3A_405 : i32
      %add3A_407 = arith.constant 120 : i32
      %add3A_408 = arith.addi %mul3A_406, %add3A_407 : i32
      %dma_start3A_409 = arith.constant 3 : i32
      %dma_start3A_410 = arith.constant 120 : i32
      %dma_start3A_411 = arith.constant 0 : i32
      %dma_start3A_412 = tpu.memref_slice %arg8[%dma_start3A_409, %dma_start3A_410, %dma_start3A_411] : memref<4x200x128xf32, #tpu.memory_space<vmem>> -> memref<1x80x128xf32, #tpu.memory_space<vmem>>
      %dma_start3A_413 = tpu.memref_squeeze %dma_start3A_412 : memref<1x80x128xf32, #tpu.memory_space<vmem>> -> memref<80x128xf32, #tpu.memory_space<vmem>>
      %dma_start3A_414 = tpu.memref_slice %arg6[%add3A_408] : memref<6400xi32, #tpu.memory_space<vmem>> -> memref<80xi32, #tpu.memory_space<vmem>>
      %dma_start3A_415 = arith.constant 0 : i32
      %dma_start3A_416 = arith.constant 0 : i32
      %dma_start3A_417 = tpu.memref_slice %arg3[%dma_start3A_415, %dma_start3A_416] : memref<100000x128xf32, #tpu.memory_space<hbm>> -> memref<100000x128xf32, #tpu.memory_space<hbm>>
      tpu.enqueue_indirect_dma source(%dma_start3A_417 : memref<100000x128xf32, #tpu.memory_space<hbm>>) target(%dma_start3A_413 : memref<80x128xf32, #tpu.memory_space<vmem>>) offsets(%dma_start3A_414 : memref<80xi32, #tpu.memory_space<vmem>>) semaphore(%arg10 : memref<!tpu.dma_semaphore, #tpu.memory_space<semaphore_mem>>) {add = true}
      %dma_wait3A_418 = arith.constant 2 : i32
      %dma_wait3A_419 = arith.constant 0 : i32
      %dma_wait3A_420 = arith.constant 0 : i32
      %dma_wait3A_421 = tpu.memref_slice %arg8[%dma_wait3A_418, %dma_wait3A_419, %dma_wait3A_420] : memref<4x200x128xf32, #tpu.memory_space<vmem>> -> memref<1x120x128xf32, #tpu.memory_space<vmem>>
      %dma_wait3A_422 = tpu.memref_squeeze %dma_wait3A_421 : memref<1x120x128xf32, #tpu.memory_space<vmem>> -> memref<120x128xf32, #tpu.memory_space<vmem>>
      %dma_wait3A_423 = arith.constant 0 : i32
      %dma_wait3A_424 = tpu.memref_slice %arg6[%dma_wait3A_423] : memref<6400xi32, #tpu.memory_space<vmem>> -> memref<120xi32, #tpu.memory_space<vmem>>
      %dma_wait3A_425 = arith.constant 0 : i32
      %dma_wait3A_426 = arith.constant 0 : i32
      %dma_wait3A_427 = tpu.memref_slice %arg3[%dma_wait3A_425, %dma_wait3A_426] : memref<100000x128xf32, #tpu.memory_space<hbm>> -> memref<100000x128xf32, #tpu.memory_space<hbm>>
      tpu.wait_indirect_dma semaphore(%arg10 : memref<!tpu.dma_semaphore, #tpu.memory_space<semaphore_mem>>) src(%dma_wait3A_427 : memref<100000x128xf32, #tpu.memory_space<hbm>>) dst(%dma_wait3A_422 : memref<120x128xf32, #tpu.memory_space<vmem>>)
      %dma_wait3A_428 = arith.constant 2 : i32
      %dma_wait3A_429 = arith.constant 120 : i32
      %dma_wait3A_430 = arith.constant 0 : i32
      %dma_wait3A_431 = tpu.memref_slice %arg8[%dma_wait3A_428, %dma_wait3A_429, %dma_wait3A_430] : memref<4x200x128xf32, #tpu.memory_space<vmem>> -> memref<1x80x128xf32, #tpu.memory_space<vmem>>
      %dma_wait3A_432 = tpu.memref_squeeze %dma_wait3A_431 : memref<1x80x128xf32, #tpu.memory_space<vmem>> -> memref<80x128xf32, #tpu.memory_space<vmem>>
      %dma_wait3A_433 = arith.constant 120 : i32
      %dma_wait3A_434 = tpu.memref_slice %arg6[%dma_wait3A_433] : memref<6400xi32, #tpu.memory_space<vmem>> -> memref<80xi32, #tpu.memory_space<vmem>>
      %dma_wait3A_435 = arith.constant 0 : i32
      %dma_wait3A_436 = arith.constant 0 : i32
      %dma_wait3A_437 = tpu.memref_slice %arg3[%dma_wait3A_435, %dma_wait3A_436] : memref<100000x128xf32, #tpu.memory_space<hbm>> -> memref<100000x128xf32, #tpu.memory_space<hbm>>
      tpu.wait_indirect_dma semaphore(%arg10 : memref<!tpu.dma_semaphore, #tpu.memory_space<semaphore_mem>>) src(%dma_wait3A_437 : memref<100000x128xf32, #tpu.memory_space<hbm>>) dst(%dma_wait3A_432 : memref<80x128xf32, #tpu.memory_space<vmem>>)
      %mul3A_438 = arith.constant 200 : i32
      %mul3A_439 = arith.muli %add3A_358, %mul3A_438 : i32
      %add3A_440 = arith.addi %mul3A_2, %mul3A_439 : i32
      %dma_start3A_441 = arith.constant 2 : i32
      %dma_start3A_442 = arith.constant 0 : i32
      %dma_start3A_443 = arith.constant 0 : i32
      %dma_start3A_444 = tpu.memref_slice %arg8[%dma_start3A_441, %dma_start3A_442, %dma_start3A_443] : memref<4x200x128xf32, #tpu.memory_space<vmem>> -> memref<1x200x128xf32, #tpu.memory_space<vmem>>
      %dma_start3A_445 = tpu.memref_squeeze %dma_start3A_444 : memref<1x200x128xf32, #tpu.memory_space<vmem>> -> memref<200x128xf32, #tpu.memory_space<vmem>>
      %dma_start3A_446 = arith.constant 0 : i32
      %dma_start3A_447 = tpu.memref_slice %arg5[%add3A_440, %dma_start3A_446] : memref<204800x128xf32, #tpu.memory_space<hbm>> -> memref<200x128xf32, #tpu.memory_space<hbm>>
      %dma_start3A_448 = arith.constant 0 : i32
      %dma_start3A_449 = tpu.memref_slice %arg5[%add3A_440, %dma_start3A_448] : memref<204800x128xf32, #tpu.memory_space<hbm>> -> memref<200x128xf32, #tpu.memory_space<hbm>>
      %dma_start3A_450 = arith.constant 0 : i32
      %dma_start3A_451 = arith.constant 0 : i32
      %dma_start3A_452 = tpu.memref_slice %arg8[%dma_start3A_441, %dma_start3A_450, %dma_start3A_451] : memref<4x200x128xf32, #tpu.memory_space<vmem>> -> memref<1x200x128xf32, #tpu.memory_space<vmem>>
      %dma_start3A_453 = tpu.memref_squeeze %dma_start3A_452 : memref<1x200x128xf32, #tpu.memory_space<vmem>> -> memref<200x128xf32, #tpu.memory_space<vmem>>
      tpu.enqueue_dma source(%dma_start3A_453 : memref<200x128xf32, #tpu.memory_space<vmem>>) target(%dma_start3A_449 : memref<200x128xf32, #tpu.memory_space<hbm>>) target_semaphore(%arg11 : memref<!tpu.dma_semaphore, #tpu.memory_space<semaphore_mem>>)
      %mul3A_454 = arith.constant 4 : i32
      %mul3A_455 = arith.muli %mul3A_454, %scan3A_352 : i32
      %add3A_456 = arith.constant 2 : i32
      %add3A_457 = arith.addi %mul3A_455, %add3A_456 : i32
      %add3A_458 = arith.constant 1 : i32
      %add3A_459 = arith.addi %add3A_457, %add3A_458 : i32
      %dma_wait3A_460 = arith.constant 1 : i32
      %dma_wait3A_461 = arith.constant 0 : i32
      %dma_wait3A_462 = arith.constant 0 : i32
      %dma_wait3A_463 = tpu.memref_slice %arg8[%dma_wait3A_460, %dma_wait3A_461, %dma_wait3A_462] : memref<4x200x128xf32, #tpu.memory_space<vmem>> -> memref<1x200x128xf32, #tpu.memory_space<vmem>>
      %dma_wait3A_464 = tpu.memref_squeeze %dma_wait3A_463 : memref<1x200x128xf32, #tpu.memory_space<vmem>> -> memref<200x128xf32, #tpu.memory_space<vmem>>
      %dma_wait3A_465 = arith.constant 0 : i32
      %dma_wait3A_466 = tpu.memref_slice %arg5[%mul3A_2, %dma_wait3A_465] : memref<204800x128xf32, #tpu.memory_space<hbm>> -> memref<200x128xf32, #tpu.memory_space<hbm>>
      %dma_wait3A_467 = arith.constant 0 : i32
      %dma_wait3A_468 = tpu.memref_slice %arg5[%mul3A_2, %dma_wait3A_467] : memref<204800x128xf32, #tpu.memory_space<hbm>> -> memref<200x128xf32, #tpu.memory_space<hbm>>
      %dma_wait3A_469 = arith.constant 0 : i32
      %dma_wait3A_470 = arith.constant 0 : i32
      %dma_wait3A_471 = tpu.memref_slice %arg8[%dma_wait3A_460, %dma_wait3A_469, %dma_wait3A_470] : memref<4x200x128xf32, #tpu.memory_space<vmem>> -> memref<1x200x128xf32, #tpu.memory_space<vmem>>
      %dma_wait3A_472 = tpu.memref_squeeze %dma_wait3A_471 : memref<1x200x128xf32, #tpu.memory_space<vmem>> -> memref<200x128xf32, #tpu.memory_space<vmem>>
      tpu.wait_dma2 semaphore(%arg11 : memref<!tpu.dma_semaphore, #tpu.memory_space<semaphore_mem>>) src(%dma_wait3A_472 : memref<200x128xf32, #tpu.memory_space<vmem>>) dst(%dma_wait3A_468 : memref<200x128xf32, #tpu.memory_space<hbm>>)
      %dma_start3A_473 = arith.constant 1 : i32
      %dma_start3A_474 = arith.constant 0 : i32
      %dma_start3A_475 = arith.constant 0 : i32
      %dma_start3A_476 = tpu.memref_slice %arg8[%dma_start3A_473, %dma_start3A_474, %dma_start3A_475] : memref<4x200x128xf32, #tpu.memory_space<vmem>> -> memref<1x200x128xf32, #tpu.memory_space<vmem>>
      %dma_start3A_477 = tpu.memref_squeeze %dma_start3A_476 : memref<1x200x128xf32, #tpu.memory_space<vmem>> -> memref<200x128xf32, #tpu.memory_space<vmem>>
      %dma_start3A_478 = arith.constant 0 : i32
      %dma_start3A_479 = arith.constant 0 : i32
      %dma_start3A_480 = tpu.memref_slice %arg8[%dma_start3A_473, %dma_start3A_478, %dma_start3A_479] : memref<4x200x128xf32, #tpu.memory_space<vmem>> -> memref<1x200x128xf32, #tpu.memory_space<vmem>>
      %dma_start3A_481 = tpu.memref_squeeze %dma_start3A_480 : memref<1x200x128xf32, #tpu.memory_space<vmem>> -> memref<200x128xf32, #tpu.memory_space<vmem>>
      tpu.enqueue_dma source(%arg7 : memref<200x128xf32, #tpu.memory_space<vmem_shared>>) target(%dma_start3A_481 : memref<200x128xf32, #tpu.memory_space<vmem>>) target_semaphore(%arg9 : memref<!tpu.dma_semaphore, #tpu.memory_space<semaphore_mem>>)
      %dma_wait3A_482 = arith.constant 0 : i32
      %dma_wait3A_483 = arith.constant 0 : i32
      %dma_wait3A_484 = arith.constant 0 : i32
      %dma_wait3A_485 = tpu.memref_slice %arg8[%dma_wait3A_482, %dma_wait3A_483, %dma_wait3A_484] : memref<4x200x128xf32, #tpu.memory_space<vmem>> -> memref<1x200x128xf32, #tpu.memory_space<vmem>>
      %dma_wait3A_486 = tpu.memref_squeeze %dma_wait3A_485 : memref<1x200x128xf32, #tpu.memory_space<vmem>> -> memref<200x128xf32, #tpu.memory_space<vmem>>
      %dma_wait3A_487 = arith.constant 0 : i32
      %dma_wait3A_488 = arith.constant 0 : i32
      %dma_wait3A_489 = tpu.memref_slice %arg8[%dma_wait3A_482, %dma_wait3A_487, %dma_wait3A_488] : memref<4x200x128xf32, #tpu.memory_space<vmem>> -> memref<1x200x128xf32, #tpu.memory_space<vmem>>
      %dma_wait3A_490 = tpu.memref_squeeze %dma_wait3A_489 : memref<1x200x128xf32, #tpu.memory_space<vmem>> -> memref<200x128xf32, #tpu.memory_space<vmem>>
      tpu.wait_dma2 semaphore(%arg9 : memref<!tpu.dma_semaphore, #tpu.memory_space<semaphore_mem>>) src(%arg7 : memref<200x128xf32, #tpu.memory_space<vmem_shared>>) dst(%dma_wait3A_490 : memref<200x128xf32, #tpu.memory_space<vmem>>)
      %add3A_491 = arith.constant 1 : i32
      %add3A_492 = arith.addi %add3A_459, %add3A_491 : i32
      %mul3A_493 = arith.constant 200 : i32
      %mul3A_494 = arith.muli %add3A_492, %mul3A_493 : i32
      %add3A_495 = arith.constant 0 : i32
      %add3A_496 = arith.addi %mul3A_494, %add3A_495 : i32
      %dma_start3A_497 = arith.constant 0 : i32
      %dma_start3A_498 = arith.constant 0 : i32
      %dma_start3A_499 = arith.constant 0 : i32
      %dma_start3A_500 = tpu.memref_slice %arg8[%dma_start3A_497, %dma_start3A_498, %dma_start3A_499] : memref<4x200x128xf32, #tpu.memory_space<vmem>> -> memref<1x120x128xf32, #tpu.memory_space<vmem>>
      %dma_start3A_501 = tpu.memref_squeeze %dma_start3A_500 : memref<1x120x128xf32, #tpu.memory_space<vmem>> -> memref<120x128xf32, #tpu.memory_space<vmem>>
      %dma_start3A_502 = tpu.memref_slice %arg6[%add3A_496] : memref<6400xi32, #tpu.memory_space<vmem>> -> memref<120xi32, #tpu.memory_space<vmem>>
      %dma_start3A_503 = arith.constant 0 : i32
      %dma_start3A_504 = arith.constant 0 : i32
      %dma_start3A_505 = tpu.memref_slice %arg3[%dma_start3A_503, %dma_start3A_504] : memref<100000x128xf32, #tpu.memory_space<hbm>> -> memref<100000x128xf32, #tpu.memory_space<hbm>>
      tpu.enqueue_indirect_dma source(%dma_start3A_505 : memref<100000x128xf32, #tpu.memory_space<hbm>>) target(%dma_start3A_501 : memref<120x128xf32, #tpu.memory_space<vmem>>) offsets(%dma_start3A_502 : memref<120xi32, #tpu.memory_space<vmem>>) semaphore(%arg10 : memref<!tpu.dma_semaphore, #tpu.memory_space<semaphore_mem>>) {add = true}
      %mul3A_506 = arith.constant 200 : i32
      %mul3A_507 = arith.muli %add3A_492, %mul3A_506 : i32
      %add3A_508 = arith.constant 120 : i32
      %add3A_509 = arith.addi %mul3A_507, %add3A_508 : i32
      %dma_start3A_510 = arith.constant 0 : i32
      %dma_start3A_511 = arith.constant 120 : i32
      %dma_start3A_512 = arith.constant 0 : i32
      %dma_start3A_513 = tpu.memref_slice %arg8[%dma_start3A_510, %dma_start3A_511, %dma_start3A_512] : memref<4x200x128xf32, #tpu.memory_space<vmem>> -> memref<1x80x128xf32, #tpu.memory_space<vmem>>
      %dma_start3A_514 = tpu.memref_squeeze %dma_start3A_513 : memref<1x80x128xf32, #tpu.memory_space<vmem>> -> memref<80x128xf32, #tpu.memory_space<vmem>>
      %dma_start3A_515 = tpu.memref_slice %arg6[%add3A_509] : memref<6400xi32, #tpu.memory_space<vmem>> -> memref<80xi32, #tpu.memory_space<vmem>>
      %dma_start3A_516 = arith.constant 0 : i32
      %dma_start3A_517 = arith.constant 0 : i32
      %dma_start3A_518 = tpu.memref_slice %arg3[%dma_start3A_516, %dma_start3A_517] : memref<100000x128xf32, #tpu.memory_space<hbm>> -> memref<100000x128xf32, #tpu.memory_space<hbm>>
      tpu.enqueue_indirect_dma source(%dma_start3A_518 : memref<100000x128xf32, #tpu.memory_space<hbm>>) target(%dma_start3A_514 : memref<80x128xf32, #tpu.memory_space<vmem>>) offsets(%dma_start3A_515 : memref<80xi32, #tpu.memory_space<vmem>>) semaphore(%arg10 : memref<!tpu.dma_semaphore, #tpu.memory_space<semaphore_mem>>) {add = true}
      %dma_wait3A_519 = arith.constant 3 : i32
      %dma_wait3A_520 = arith.constant 0 : i32
      %dma_wait3A_521 = arith.constant 0 : i32
      %dma_wait3A_522 = tpu.memref_slice %arg8[%dma_wait3A_519, %dma_wait3A_520, %dma_wait3A_521] : memref<4x200x128xf32, #tpu.memory_space<vmem>> -> memref<1x120x128xf32, #tpu.memory_space<vmem>>
      %dma_wait3A_523 = tpu.memref_squeeze %dma_wait3A_522 : memref<1x120x128xf32, #tpu.memory_space<vmem>> -> memref<120x128xf32, #tpu.memory_space<vmem>>
      %dma_wait3A_524 = arith.constant 0 : i32
      %dma_wait3A_525 = tpu.memref_slice %arg6[%dma_wait3A_524] : memref<6400xi32, #tpu.memory_space<vmem>> -> memref<120xi32, #tpu.memory_space<vmem>>
      %dma_wait3A_526 = arith.constant 0 : i32
      %dma_wait3A_527 = arith.constant 0 : i32
      %dma_wait3A_528 = tpu.memref_slice %arg3[%dma_wait3A_526, %dma_wait3A_527] : memref<100000x128xf32, #tpu.memory_space<hbm>> -> memref<100000x128xf32, #tpu.memory_space<hbm>>
      tpu.wait_indirect_dma semaphore(%arg10 : memref<!tpu.dma_semaphore, #tpu.memory_space<semaphore_mem>>) src(%dma_wait3A_528 : memref<100000x128xf32, #tpu.memory_space<hbm>>) dst(%dma_wait3A_523 : memref<120x128xf32, #tpu.memory_space<vmem>>)
      %dma_wait3A_529 = arith.constant 3 : i32
      %dma_wait3A_530 = arith.constant 120 : i32
      %dma_wait3A_531 = arith.constant 0 : i32
      %dma_wait3A_532 = tpu.memref_slice %arg8[%dma_wait3A_529, %dma_wait3A_530, %dma_wait3A_531] : memref<4x200x128xf32, #tpu.memory_space<vmem>> -> memref<1x80x128xf32, #tpu.memory_space<vmem>>
      %dma_wait3A_533 = tpu.memref_squeeze %dma_wait3A_532 : memref<1x80x128xf32, #tpu.memory_space<vmem>> -> memref<80x128xf32, #tpu.memory_space<vmem>>
      %dma_wait3A_534 = arith.constant 120 : i32
      %dma_wait3A_535 = tpu.memref_slice %arg6[%dma_wait3A_534] : memref<6400xi32, #tpu.memory_space<vmem>> -> memref<80xi32, #tpu.memory_space<vmem>>
      %dma_wait3A_536 = arith.constant 0 : i32
      %dma_wait3A_537 = arith.constant 0 : i32
      %dma_wait3A_538 = tpu.memref_slice %arg3[%dma_wait3A_536, %dma_wait3A_537] : memref<100000x128xf32, #tpu.memory_space<hbm>> -> memref<100000x128xf32, #tpu.memory_space<hbm>>
      tpu.wait_indirect_dma semaphore(%arg10 : memref<!tpu.dma_semaphore, #tpu.memory_space<semaphore_mem>>) src(%dma_wait3A_538 : memref<100000x128xf32, #tpu.memory_space<hbm>>) dst(%dma_wait3A_533 : memref<80x128xf32, #tpu.memory_space<vmem>>)
      %mul3A_539 = arith.constant 200 : i32
      %mul3A_540 = arith.muli %add3A_459, %mul3A_539 : i32
      %add3A_541 = arith.addi %mul3A_2, %mul3A_540 : i32
      %dma_start3A_542 = arith.constant 3 : i32
      %dma_start3A_543 = arith.constant 0 : i32
      %dma_start3A_544 = arith.constant 0 : i32
      %dma_start3A_545 = tpu.memref_slice %arg8[%dma_start3A_542, %dma_start3A_543, %dma_start3A_544] : memref<4x200x128xf32, #tpu.memory_space<vmem>> -> memref<1x200x128xf32, #tpu.memory_space<vmem>>
      %dma_start3A_546 = tpu.memref_squeeze %dma_start3A_545 : memref<1x200x128xf32, #tpu.memory_space<vmem>> -> memref<200x128xf32, #tpu.memory_space<vmem>>
      %dma_start3A_547 = arith.constant 0 : i32
      %dma_start3A_548 = tpu.memref_slice %arg5[%add3A_541, %dma_start3A_547] : memref<204800x128xf32, #tpu.memory_space<hbm>> -> memref<200x128xf32, #tpu.memory_space<hbm>>
      %dma_start3A_549 = arith.constant 0 : i32
      %dma_start3A_550 = tpu.memref_slice %arg5[%add3A_541, %dma_start3A_549] : memref<204800x128xf32, #tpu.memory_space<hbm>> -> memref<200x128xf32, #tpu.memory_space<hbm>>
      %dma_start3A_551 = arith.constant 0 : i32
      %dma_start3A_552 = arith.constant 0 : i32
      %dma_start3A_553 = tpu.memref_slice %arg8[%dma_start3A_542, %dma_start3A_551, %dma_start3A_552] : memref<4x200x128xf32, #tpu.memory_space<vmem>> -> memref<1x200x128xf32, #tpu.memory_space<vmem>>
      %dma_start3A_554 = tpu.memref_squeeze %dma_start3A_553 : memref<1x200x128xf32, #tpu.memory_space<vmem>> -> memref<200x128xf32, #tpu.memory_space<vmem>>
      tpu.enqueue_dma source(%dma_start3A_554 : memref<200x128xf32, #tpu.memory_space<vmem>>) target(%dma_start3A_550 : memref<200x128xf32, #tpu.memory_space<hbm>>) target_semaphore(%arg11 : memref<!tpu.dma_semaphore, #tpu.memory_space<semaphore_mem>>)
      %mul3A_555 = arith.constant 4 : i32
      %mul3A_556 = arith.muli %mul3A_555, %scan3A_352 : i32
      %add3A_557 = arith.constant 2 : i32
      %add3A_558 = arith.addi %mul3A_556, %add3A_557 : i32
      %add3A_559 = arith.constant 2 : i32
      %add3A_560 = arith.addi %add3A_558, %add3A_559 : i32
      %dma_wait3A_561 = arith.constant 2 : i32
      %dma_wait3A_562 = arith.constant 0 : i32
      %dma_wait3A_563 = arith.constant 0 : i32
      %dma_wait3A_564 = tpu.memref_slice %arg8[%dma_wait3A_561, %dma_wait3A_562, %dma_wait3A_563] : memref<4x200x128xf32, #tpu.memory_space<vmem>> -> memref<1x200x128xf32, #tpu.memory_space<vmem>>
      %dma_wait3A_565 = tpu.memref_squeeze %dma_wait3A_564 : memref<1x200x128xf32, #tpu.memory_space<vmem>> -> memref<200x128xf32, #tpu.memory_space<vmem>>
      %dma_wait3A_566 = arith.constant 0 : i32
      %dma_wait3A_567 = tpu.memref_slice %arg5[%mul3A_2, %dma_wait3A_566] : memref<204800x128xf32, #tpu.memory_space<hbm>> -> memref<200x128xf32, #tpu.memory_space<hbm>>
      %dma_wait3A_568 = arith.constant 0 : i32
      %dma_wait3A_569 = tpu.memref_slice %arg5[%mul3A_2, %dma_wait3A_568] : memref<204800x128xf32, #tpu.memory_space<hbm>> -> memref<200x128xf32, #tpu.memory_space<hbm>>
      %dma_wait3A_570 = arith.constant 0 : i32
      %dma_wait3A_571 = arith.constant 0 : i32
      %dma_wait3A_572 = tpu.memref_slice %arg8[%dma_wait3A_561, %dma_wait3A_570, %dma_wait3A_571] : memref<4x200x128xf32, #tpu.memory_space<vmem>> -> memref<1x200x128xf32, #tpu.memory_space<vmem>>
      %dma_wait3A_573 = tpu.memref_squeeze %dma_wait3A_572 : memref<1x200x128xf32, #tpu.memory_space<vmem>> -> memref<200x128xf32, #tpu.memory_space<vmem>>
      tpu.wait_dma2 semaphore(%arg11 : memref<!tpu.dma_semaphore, #tpu.memory_space<semaphore_mem>>) src(%dma_wait3A_573 : memref<200x128xf32, #tpu.memory_space<vmem>>) dst(%dma_wait3A_569 : memref<200x128xf32, #tpu.memory_space<hbm>>)
      %dma_start3A_574 = arith.constant 2 : i32
      %dma_start3A_575 = arith.constant 0 : i32
      %dma_start3A_576 = arith.constant 0 : i32
      %dma_start3A_577 = tpu.memref_slice %arg8[%dma_start3A_574, %dma_start3A_575, %dma_start3A_576] : memref<4x200x128xf32, #tpu.memory_space<vmem>> -> memref<1x200x128xf32, #tpu.memory_space<vmem>>
      %dma_start3A_578 = tpu.memref_squeeze %dma_start3A_577 : memref<1x200x128xf32, #tpu.memory_space<vmem>> -> memref<200x128xf32, #tpu.memory_space<vmem>>
      %dma_start3A_579 = arith.constant 0 : i32
      %dma_start3A_580 = arith.constant 0 : i32
      %dma_start3A_581 = tpu.memref_slice %arg8[%dma_start3A_574, %dma_start3A_579, %dma_start3A_580] : memref<4x200x128xf32, #tpu.memory_space<vmem>> -> memref<1x200x128xf32, #tpu.memory_space<vmem>>
      %dma_start3A_582 = tpu.memref_squeeze %dma_start3A_581 : memref<1x200x128xf32, #tpu.memory_space<vmem>> -> memref<200x128xf32, #tpu.memory_space<vmem>>
      tpu.enqueue_dma source(%arg7 : memref<200x128xf32, #tpu.memory_space<vmem_shared>>) target(%dma_start3A_582 : memref<200x128xf32, #tpu.memory_space<vmem>>) target_semaphore(%arg9 : memref<!tpu.dma_semaphore, #tpu.memory_space<semaphore_mem>>)
      %dma_wait3A_583 = arith.constant 1 : i32
      %dma_wait3A_584 = arith.constant 0 : i32
      %dma_wait3A_585 = arith.constant 0 : i32
      %dma_wait3A_586 = tpu.memref_slice %arg8[%dma_wait3A_583, %dma_wait3A_584, %dma_wait3A_585] : memref<4x200x128xf32, #tpu.memory_space<vmem>> -> memref<1x200x128xf32, #tpu.memory_space<vmem>>
      %dma_wait3A_587 = tpu.memref_squeeze %dma_wait3A_586 : memref<1x200x128xf32, #tpu.memory_space<vmem>> -> memref<200x128xf32, #tpu.memory_space<vmem>>
      %dma_wait3A_588 = arith.constant 0 : i32
      %dma_wait3A_589 = arith.constant 0 : i32
      %dma_wait3A_590 = tpu.memref_slice %arg8[%dma_wait3A_583, %dma_wait3A_588, %dma_wait3A_589] : memref<4x200x128xf32, #tpu.memory_space<vmem>> -> memref<1x200x128xf32, #tpu.memory_space<vmem>>
      %dma_wait3A_591 = tpu.memref_squeeze %dma_wait3A_590 : memref<1x200x128xf32, #tpu.memory_space<vmem>> -> memref<200x128xf32, #tpu.memory_space<vmem>>
      tpu.wait_dma2 semaphore(%arg9 : memref<!tpu.dma_semaphore, #tpu.memory_space<semaphore_mem>>) src(%arg7 : memref<200x128xf32, #tpu.memory_space<vmem_shared>>) dst(%dma_wait3A_591 : memref<200x128xf32, #tpu.memory_space<vmem>>)
      %add3A_592 = arith.constant 1 : i32
      %add3A_593 = arith.addi %add3A_560, %add3A_592 : i32
      %mul3A_594 = arith.constant 200 : i32
      %mul3A_595 = arith.muli %add3A_593, %mul3A_594 : i32
      %add3A_596 = arith.constant 0 : i32
      %add3A_597 = arith.addi %mul3A_595, %add3A_596 : i32
      %dma_start3A_598 = arith.constant 1 : i32
      %dma_start3A_599 = arith.constant 0 : i32
      %dma_start3A_600 = arith.constant 0 : i32
      %dma_start3A_601 = tpu.memref_slice %arg8[%dma_start3A_598, %dma_start3A_599, %dma_start3A_600] : memref<4x200x128xf32, #tpu.memory_space<vmem>> -> memref<1x120x128xf32, #tpu.memory_space<vmem>>
      %dma_start3A_602 = tpu.memref_squeeze %dma_start3A_601 : memref<1x120x128xf32, #tpu.memory_space<vmem>> -> memref<120x128xf32, #tpu.memory_space<vmem>>
      %dma_start3A_603 = tpu.memref_slice %arg6[%add3A_597] : memref<6400xi32, #tpu.memory_space<vmem>> -> memref<120xi32, #tpu.memory_space<vmem>>
      %dma_start3A_604 = arith.constant 0 : i32
      %dma_start3A_605 = arith.constant 0 : i32
      %dma_start3A_606 = tpu.memref_slice %arg3[%dma_start3A_604, %dma_start3A_605] : memref<100000x128xf32, #tpu.memory_space<hbm>> -> memref<100000x128xf32, #tpu.memory_space<hbm>>
      tpu.enqueue_indirect_dma source(%dma_start3A_606 : memref<100000x128xf32, #tpu.memory_space<hbm>>) target(%dma_start3A_602 : memref<120x128xf32, #tpu.memory_space<vmem>>) offsets(%dma_start3A_603 : memref<120xi32, #tpu.memory_space<vmem>>) semaphore(%arg10 : memref<!tpu.dma_semaphore, #tpu.memory_space<semaphore_mem>>) {add = true}
      %mul3A_607 = arith.constant 200 : i32
      %mul3A_608 = arith.muli %add3A_593, %mul3A_607 : i32
      %add3A_609 = arith.constant 120 : i32
      %add3A_610 = arith.addi %mul3A_608, %add3A_609 : i32
      %dma_start3A_611 = arith.constant 1 : i32
      %dma_start3A_612 = arith.constant 120 : i32
      %dma_start3A_613 = arith.constant 0 : i32
      %dma_start3A_614 = tpu.memref_slice %arg8[%dma_start3A_611, %dma_start3A_612, %dma_start3A_613] : memref<4x200x128xf32, #tpu.memory_space<vmem>> -> memref<1x80x128xf32, #tpu.memory_space<vmem>>
      %dma_start3A_615 = tpu.memref_squeeze %dma_start3A_614 : memref<1x80x128xf32, #tpu.memory_space<vmem>> -> memref<80x128xf32, #tpu.memory_space<vmem>>
      %dma_start3A_616 = tpu.memref_slice %arg6[%add3A_610] : memref<6400xi32, #tpu.memory_space<vmem>> -> memref<80xi32, #tpu.memory_space<vmem>>
      %dma_start3A_617 = arith.constant 0 : i32
      %dma_start3A_618 = arith.constant 0 : i32
      %dma_start3A_619 = tpu.memref_slice %arg3[%dma_start3A_617, %dma_start3A_618] : memref<100000x128xf32, #tpu.memory_space<hbm>> -> memref<100000x128xf32, #tpu.memory_space<hbm>>
      tpu.enqueue_indirect_dma source(%dma_start3A_619 : memref<100000x128xf32, #tpu.memory_space<hbm>>) target(%dma_start3A_615 : memref<80x128xf32, #tpu.memory_space<vmem>>) offsets(%dma_start3A_616 : memref<80xi32, #tpu.memory_space<vmem>>) semaphore(%arg10 : memref<!tpu.dma_semaphore, #tpu.memory_space<semaphore_mem>>) {add = true}
      %dma_wait3A_620 = arith.constant 0 : i32
      %dma_wait3A_621 = arith.constant 0 : i32
      %dma_wait3A_622 = arith.constant 0 : i32
      %dma_wait3A_623 = tpu.memref_slice %arg8[%dma_wait3A_620, %dma_wait3A_621, %dma_wait3A_622] : memref<4x200x128xf32, #tpu.memory_space<vmem>> -> memref<1x120x128xf32, #tpu.memory_space<vmem>>
      %dma_wait3A_624 = tpu.memref_squeeze %dma_wait3A_623 : memref<1x120x128xf32, #tpu.memory_space<vmem>> -> memref<120x128xf32, #tpu.memory_space<vmem>>
      %dma_wait3A_625 = arith.constant 0 : i32
      %dma_wait3A_626 = tpu.memref_slice %arg6[%dma_wait3A_625] : memref<6400xi32, #tpu.memory_space<vmem>> -> memref<120xi32, #tpu.memory_space<vmem>>
      %dma_wait3A_627 = arith.constant 0 : i32
      %dma_wait3A_628 = arith.constant 0 : i32
      %dma_wait3A_629 = tpu.memref_slice %arg3[%dma_wait3A_627, %dma_wait3A_628] : memref<100000x128xf32, #tpu.memory_space<hbm>> -> memref<100000x128xf32, #tpu.memory_space<hbm>>
      tpu.wait_indirect_dma semaphore(%arg10 : memref<!tpu.dma_semaphore, #tpu.memory_space<semaphore_mem>>) src(%dma_wait3A_629 : memref<100000x128xf32, #tpu.memory_space<hbm>>) dst(%dma_wait3A_624 : memref<120x128xf32, #tpu.memory_space<vmem>>)
      %dma_wait3A_630 = arith.constant 0 : i32
      %dma_wait3A_631 = arith.constant 120 : i32
      %dma_wait3A_632 = arith.constant 0 : i32
      %dma_wait3A_633 = tpu.memref_slice %arg8[%dma_wait3A_630, %dma_wait3A_631, %dma_wait3A_632] : memref<4x200x128xf32, #tpu.memory_space<vmem>> -> memref<1x80x128xf32, #tpu.memory_space<vmem>>
      %dma_wait3A_634 = tpu.memref_squeeze %dma_wait3A_633 : memref<1x80x128xf32, #tpu.memory_space<vmem>> -> memref<80x128xf32, #tpu.memory_space<vmem>>
      %dma_wait3A_635 = arith.constant 120 : i32
      %dma_wait3A_636 = tpu.memref_slice %arg6[%dma_wait3A_635] : memref<6400xi32, #tpu.memory_space<vmem>> -> memref<80xi32, #tpu.memory_space<vmem>>
      %dma_wait3A_637 = arith.constant 0 : i32
      %dma_wait3A_638 = arith.constant 0 : i32
      %dma_wait3A_639 = tpu.memref_slice %arg3[%dma_wait3A_637, %dma_wait3A_638] : memref<100000x128xf32, #tpu.memory_space<hbm>> -> memref<100000x128xf32, #tpu.memory_space<hbm>>
      tpu.wait_indirect_dma semaphore(%arg10 : memref<!tpu.dma_semaphore, #tpu.memory_space<semaphore_mem>>) src(%dma_wait3A_639 : memref<100000x128xf32, #tpu.memory_space<hbm>>) dst(%dma_wait3A_634 : memref<80x128xf32, #tpu.memory_space<vmem>>)
      %mul3A_640 = arith.constant 200 : i32
      %mul3A_641 = arith.muli %add3A_560, %mul3A_640 : i32
      %add3A_642 = arith.addi %mul3A_2, %mul3A_641 : i32
      %dma_start3A_643 = arith.constant 0 : i32
      %dma_start3A_644 = arith.constant 0 : i32
      %dma_start3A_645 = arith.constant 0 : i32
      %dma_start3A_646 = tpu.memref_slice %arg8[%dma_start3A_643, %dma_start3A_644, %dma_start3A_645] : memref<4x200x128xf32, #tpu.memory_space<vmem>> -> memref<1x200x128xf32, #tpu.memory_space<vmem>>
      %dma_start3A_647 = tpu.memref_squeeze %dma_start3A_646 : memref<1x200x128xf32, #tpu.memory_space<vmem>> -> memref<200x128xf32, #tpu.memory_space<vmem>>
      %dma_start3A_648 = arith.constant 0 : i32
      %dma_start3A_649 = tpu.memref_slice %arg5[%add3A_642, %dma_start3A_648] : memref<204800x128xf32, #tpu.memory_space<hbm>> -> memref<200x128xf32, #tpu.memory_space<hbm>>
      %dma_start3A_650 = arith.constant 0 : i32
      %dma_start3A_651 = tpu.memref_slice %arg5[%add3A_642, %dma_start3A_650] : memref<204800x128xf32, #tpu.memory_space<hbm>> -> memref<200x128xf32, #tpu.memory_space<hbm>>
      %dma_start3A_652 = arith.constant 0 : i32
      %dma_start3A_653 = arith.constant 0 : i32
      %dma_start3A_654 = tpu.memref_slice %arg8[%dma_start3A_643, %dma_start3A_652, %dma_start3A_653] : memref<4x200x128xf32, #tpu.memory_space<vmem>> -> memref<1x200x128xf32, #tpu.memory_space<vmem>>
      %dma_start3A_655 = tpu.memref_squeeze %dma_start3A_654 : memref<1x200x128xf32, #tpu.memory_space<vmem>> -> memref<200x128xf32, #tpu.memory_space<vmem>>
      tpu.enqueue_dma source(%dma_start3A_655 : memref<200x128xf32, #tpu.memory_space<vmem>>) target(%dma_start3A_651 : memref<200x128xf32, #tpu.memory_space<hbm>>) target_semaphore(%arg11 : memref<!tpu.dma_semaphore, #tpu.memory_space<semaphore_mem>>)
      %mul3A_656 = arith.constant 4 : i32
      %mul3A_657 = arith.muli %mul3A_656, %scan3A_352 : i32
      %add3A_658 = arith.constant 2 : i32
      %add3A_659 = arith.addi %mul3A_657, %add3A_658 : i32
      %add3A_660 = arith.constant 3 : i32
      %add3A_661 = arith.addi %add3A_659, %add3A_660 : i32
      %dma_wait3A_662 = arith.constant 3 : i32
      %dma_wait3A_663 = arith.constant 0 : i32
      %dma_wait3A_664 = arith.constant 0 : i32
      %dma_wait3A_665 = tpu.memref_slice %arg8[%dma_wait3A_662, %dma_wait3A_663, %dma_wait3A_664] : memref<4x200x128xf32, #tpu.memory_space<vmem>> -> memref<1x200x128xf32, #tpu.memory_space<vmem>>
      %dma_wait3A_666 = tpu.memref_squeeze %dma_wait3A_665 : memref<1x200x128xf32, #tpu.memory_space<vmem>> -> memref<200x128xf32, #tpu.memory_space<vmem>>
      %dma_wait3A_667 = arith.constant 0 : i32
      %dma_wait3A_668 = tpu.memref_slice %arg5[%mul3A_2, %dma_wait3A_667] : memref<204800x128xf32, #tpu.memory_space<hbm>> -> memref<200x128xf32, #tpu.memory_space<hbm>>
      %dma_wait3A_669 = arith.constant 0 : i32
      %dma_wait3A_670 = tpu.memref_slice %arg5[%mul3A_2, %dma_wait3A_669] : memref<204800x128xf32, #tpu.memory_space<hbm>> -> memref<200x128xf32, #tpu.memory_space<hbm>>
      %dma_wait3A_671 = arith.constant 0 : i32
      %dma_wait3A_672 = arith.constant 0 : i32
      %dma_wait3A_673 = tpu.memref_slice %arg8[%dma_wait3A_662, %dma_wait3A_671, %dma_wait3A_672] : memref<4x200x128xf32, #tpu.memory_space<vmem>> -> memref<1x200x128xf32, #tpu.memory_space<vmem>>
      %dma_wait3A_674 = tpu.memref_squeeze %dma_wait3A_673 : memref<1x200x128xf32, #tpu.memory_space<vmem>> -> memref<200x128xf32, #tpu.memory_space<vmem>>
      tpu.wait_dma2 semaphore(%arg11 : memref<!tpu.dma_semaphore, #tpu.memory_space<semaphore_mem>>) src(%dma_wait3A_674 : memref<200x128xf32, #tpu.memory_space<vmem>>) dst(%dma_wait3A_670 : memref<200x128xf32, #tpu.memory_space<hbm>>)
      %dma_start3A_675 = arith.constant 3 : i32
      %dma_start3A_676 = arith.constant 0 : i32
      %dma_start3A_677 = arith.constant 0 : i32
      %dma_start3A_678 = tpu.memref_slice %arg8[%dma_start3A_675, %dma_start3A_676, %dma_start3A_677] : memref<4x200x128xf32, #tpu.memory_space<vmem>> -> memref<1x200x128xf32, #tpu.memory_space<vmem>>
      %dma_start3A_679 = tpu.memref_squeeze %dma_start3A_678 : memref<1x200x128xf32, #tpu.memory_space<vmem>> -> memref<200x128xf32, #tpu.memory_space<vmem>>
      %dma_start3A_680 = arith.constant 0 : i32
      %dma_start3A_681 = arith.constant 0 : i32
      %dma_start3A_682 = tpu.memref_slice %arg8[%dma_start3A_675, %dma_start3A_680, %dma_start3A_681] : memref<4x200x128xf32, #tpu.memory_space<vmem>> -> memref<1x200x128xf32, #tpu.memory_space<vmem>>
      %dma_start3A_683 = tpu.memref_squeeze %dma_start3A_682 : memref<1x200x128xf32, #tpu.memory_space<vmem>> -> memref<200x128xf32, #tpu.memory_space<vmem>>
      tpu.enqueue_dma source(%arg7 : memref<200x128xf32, #tpu.memory_space<vmem_shared>>) target(%dma_start3A_683 : memref<200x128xf32, #tpu.memory_space<vmem>>) target_semaphore(%arg9 : memref<!tpu.dma_semaphore, #tpu.memory_space<semaphore_mem>>)
      %dma_wait3A_684 = arith.constant 2 : i32
      %dma_wait3A_685 = arith.constant 0 : i32
      %dma_wait3A_686 = arith.constant 0 : i32
      %dma_wait3A_687 = tpu.memref_slice %arg8[%dma_wait3A_684, %dma_wait3A_685, %dma_wait3A_686] : memref<4x200x128xf32, #tpu.memory_space<vmem>> -> memref<1x200x128xf32, #tpu.memory_space<vmem>>
      %dma_wait3A_688 = tpu.memref_squeeze %dma_wait3A_687 : memref<1x200x128xf32, #tpu.memory_space<vmem>> -> memref<200x128xf32, #tpu.memory_space<vmem>>
      %dma_wait3A_689 = arith.constant 0 : i32
      %dma_wait3A_690 = arith.constant 0 : i32
      %dma_wait3A_691 = tpu.memref_slice %arg8[%dma_wait3A_684, %dma_wait3A_689, %dma_wait3A_690] : memref<4x200x128xf32, #tpu.memory_space<vmem>> -> memref<1x200x128xf32, #tpu.memory_space<vmem>>
      %dma_wait3A_692 = tpu.memref_squeeze %dma_wait3A_691 : memref<1x200x128xf32, #tpu.memory_space<vmem>> -> memref<200x128xf32, #tpu.memory_space<vmem>>
      tpu.wait_dma2 semaphore(%arg9 : memref<!tpu.dma_semaphore, #tpu.memory_space<semaphore_mem>>) src(%arg7 : memref<200x128xf32, #tpu.memory_space<vmem_shared>>) dst(%dma_wait3A_692 : memref<200x128xf32, #tpu.memory_space<vmem>>)
      %add3A_693 = arith.constant 1 : i32
      %add3A_694 = arith.addi %add3A_661, %add3A_693 : i32
      %mul3A_695 = arith.constant 200 : i32
      %mul3A_696 = arith.muli %add3A_694, %mul3A_695 : i32
      %add3A_697 = arith.constant 0 : i32
      %add3A_698 = arith.addi %mul3A_696, %add3A_697 : i32
      %dma_start3A_699 = arith.constant 2 : i32
      %dma_start3A_700 = arith.constant 0 : i32
      %dma_start3A_701 = arith.constant 0 : i32
      %dma_start3A_702 = tpu.memref_slice %arg8[%dma_start3A_699, %dma_start3A_700, %dma_start3A_701] : memref<4x200x128xf32, #tpu.memory_space<vmem>> -> memref<1x120x128xf32, #tpu.memory_space<vmem>>
      %dma_start3A_703 = tpu.memref_squeeze %dma_start3A_702 : memref<1x120x128xf32, #tpu.memory_space<vmem>> -> memref<120x128xf32, #tpu.memory_space<vmem>>
      %dma_start3A_704 = tpu.memref_slice %arg6[%add3A_698] : memref<6400xi32, #tpu.memory_space<vmem>> -> memref<120xi32, #tpu.memory_space<vmem>>
      %dma_start3A_705 = arith.constant 0 : i32
      %dma_start3A_706 = arith.constant 0 : i32
      %dma_start3A_707 = tpu.memref_slice %arg3[%dma_start3A_705, %dma_start3A_706] : memref<100000x128xf32, #tpu.memory_space<hbm>> -> memref<100000x128xf32, #tpu.memory_space<hbm>>
      tpu.enqueue_indirect_dma source(%dma_start3A_707 : memref<100000x128xf32, #tpu.memory_space<hbm>>) target(%dma_start3A_703 : memref<120x128xf32, #tpu.memory_space<vmem>>) offsets(%dma_start3A_704 : memref<120xi32, #tpu.memory_space<vmem>>) semaphore(%arg10 : memref<!tpu.dma_semaphore, #tpu.memory_space<semaphore_mem>>) {add = true}
      %mul3A_708 = arith.constant 200 : i32
      %mul3A_709 = arith.muli %add3A_694, %mul3A_708 : i32
      %add3A_710 = arith.constant 120 : i32
      %add3A_711 = arith.addi %mul3A_709, %add3A_710 : i32
      %dma_start3A_712 = arith.constant 2 : i32
      %dma_start3A_713 = arith.constant 120 : i32
      %dma_start3A_714 = arith.constant 0 : i32
      %dma_start3A_715 = tpu.memref_slice %arg8[%dma_start3A_712, %dma_start3A_713, %dma_start3A_714] : memref<4x200x128xf32, #tpu.memory_space<vmem>> -> memref<1x80x128xf32, #tpu.memory_space<vmem>>
      %dma_start3A_716 = tpu.memref_squeeze %dma_start3A_715 : memref<1x80x128xf32, #tpu.memory_space<vmem>> -> memref<80x128xf32, #tpu.memory_space<vmem>>
      %dma_start3A_717 = tpu.memref_slice %arg6[%add3A_711] : memref<6400xi32, #tpu.memory_space<vmem>> -> memref<80xi32, #tpu.memory_space<vmem>>
      %dma_start3A_718 = arith.constant 0 : i32
      %dma_start3A_719 = arith.constant 0 : i32
      %dma_start3A_720 = tpu.memref_slice %arg3[%dma_start3A_718, %dma_start3A_719] : memref<100000x128xf32, #tpu.memory_space<hbm>> -> memref<100000x128xf32, #tpu.memory_space<hbm>>
      tpu.enqueue_indirect_dma source(%dma_start3A_720 : memref<100000x128xf32, #tpu.memory_space<hbm>>) target(%dma_start3A_716 : memref<80x128xf32, #tpu.memory_space<vmem>>) offsets(%dma_start3A_717 : memref<80xi32, #tpu.memory_space<vmem>>) semaphore(%arg10 : memref<!tpu.dma_semaphore, #tpu.memory_space<semaphore_mem>>) {add = true}
      %dma_wait3A_721 = arith.constant 1 : i32
      %dma_wait3A_722 = arith.constant 0 : i32
      %dma_wait3A_723 = arith.constant 0 : i32
      %dma_wait3A_724 = tpu.memref_slice %arg8[%dma_wait3A_721, %dma_wait3A_722, %dma_wait3A_723] : memref<4x200x128xf32, #tpu.memory_space<vmem>> -> memref<1x120x128xf32, #tpu.memory_space<vmem>>
      %dma_wait3A_725 = tpu.memref_squeeze %dma_wait3A_724 : memref<1x120x128xf32, #tpu.memory_space<vmem>> -> memref<120x128xf32, #tpu.memory_space<vmem>>
      %dma_wait3A_726 = arith.constant 0 : i32
      %dma_wait3A_727 = tpu.memref_slice %arg6[%dma_wait3A_726] : memref<6400xi32, #tpu.memory_space<vmem>> -> memref<120xi32, #tpu.memory_space<vmem>>
      %dma_wait3A_728 = arith.constant 0 : i32
      %dma_wait3A_729 = arith.constant 0 : i32
      %dma_wait3A_730 = tpu.memref_slice %arg3[%dma_wait3A_728, %dma_wait3A_729] : memref<100000x128xf32, #tpu.memory_space<hbm>> -> memref<100000x128xf32, #tpu.memory_space<hbm>>
      tpu.wait_indirect_dma semaphore(%arg10 : memref<!tpu.dma_semaphore, #tpu.memory_space<semaphore_mem>>) src(%dma_wait3A_730 : memref<100000x128xf32, #tpu.memory_space<hbm>>) dst(%dma_wait3A_725 : memref<120x128xf32, #tpu.memory_space<vmem>>)
      %dma_wait3A_731 = arith.constant 1 : i32
      %dma_wait3A_732 = arith.constant 120 : i32
      %dma_wait3A_733 = arith.constant 0 : i32
      %dma_wait3A_734 = tpu.memref_slice %arg8[%dma_wait3A_731, %dma_wait3A_732, %dma_wait3A_733] : memref<4x200x128xf32, #tpu.memory_space<vmem>> -> memref<1x80x128xf32, #tpu.memory_space<vmem>>
      %dma_wait3A_735 = tpu.memref_squeeze %dma_wait3A_734 : memref<1x80x128xf32, #tpu.memory_space<vmem>> -> memref<80x128xf32, #tpu.memory_space<vmem>>
      %dma_wait3A_736 = arith.constant 120 : i32
      %dma_wait3A_737 = tpu.memref_slice %arg6[%dma_wait3A_736] : memref<6400xi32, #tpu.memory_space<vmem>> -> memref<80xi32, #tpu.memory_space<vmem>>
      %dma_wait3A_738 = arith.constant 0 : i32
      %dma_wait3A_739 = arith.constant 0 : i32
      %dma_wait3A_740 = tpu.memref_slice %arg3[%dma_wait3A_738, %dma_wait3A_739] : memref<100000x128xf32, #tpu.memory_space<hbm>> -> memref<100000x128xf32, #tpu.memory_space<hbm>>
      tpu.wait_indirect_dma semaphore(%arg10 : memref<!tpu.dma_semaphore, #tpu.memory_space<semaphore_mem>>) src(%dma_wait3A_740 : memref<100000x128xf32, #tpu.memory_space<hbm>>) dst(%dma_wait3A_735 : memref<80x128xf32, #tpu.memory_space<vmem>>)
      %mul3A_741 = arith.constant 200 : i32
      %mul3A_742 = arith.muli %add3A_661, %mul3A_741 : i32
      %add3A_743 = arith.addi %mul3A_2, %mul3A_742 : i32
      %dma_start3A_744 = arith.constant 1 : i32
      %dma_start3A_745 = arith.constant 0 : i32
      %dma_start3A_746 = arith.constant 0 : i32
      %dma_start3A_747 = tpu.memref_slice %arg8[%dma_start3A_744, %dma_start3A_745, %dma_start3A_746] : memref<4x200x128xf32, #tpu.memory_space<vmem>> -> memref<1x200x128xf32, #tpu.memory_space<vmem>>
      %dma_start3A_748 = tpu.memref_squeeze %dma_start3A_747 : memref<1x200x128xf32, #tpu.memory_space<vmem>> -> memref<200x128xf32, #tpu.memory_space<vmem>>
      %dma_start3A_749 = arith.constant 0 : i32
      %dma_start3A_750 = tpu.memref_slice %arg5[%add3A_743, %dma_start3A_749] : memref<204800x128xf32, #tpu.memory_space<hbm>> -> memref<200x128xf32, #tpu.memory_space<hbm>>
      %dma_start3A_751 = arith.constant 0 : i32
      %dma_start3A_752 = tpu.memref_slice %arg5[%add3A_743, %dma_start3A_751] : memref<204800x128xf32, #tpu.memory_space<hbm>> -> memref<200x128xf32, #tpu.memory_space<hbm>>
      %dma_start3A_753 = arith.constant 0 : i32
      %dma_start3A_754 = arith.constant 0 : i32
      %dma_start3A_755 = tpu.memref_slice %arg8[%dma_start3A_744, %dma_start3A_753, %dma_start3A_754] : memref<4x200x128xf32, #tpu.memory_space<vmem>> -> memref<1x200x128xf32, #tpu.memory_space<vmem>>
      %dma_start3A_756 = tpu.memref_squeeze %dma_start3A_755 : memref<1x200x128xf32, #tpu.memory_space<vmem>> -> memref<200x128xf32, #tpu.memory_space<vmem>>
      tpu.enqueue_dma source(%dma_start3A_756 : memref<200x128xf32, #tpu.memory_space<vmem>>) target(%dma_start3A_752 : memref<200x128xf32, #tpu.memory_space<hbm>>) target_semaphore(%arg11 : memref<!tpu.dma_semaphore, #tpu.memory_space<semaphore_mem>>)
    }
    %scan3A_200 = arith.constant 7 : i32
    %dma_wait3A_201 = arith.constant 3 : i32
    %dma_wait3A_202 = arith.constant 0 : i32
    %dma_wait3A_203 = arith.constant 0 : i32
    %dma_wait3A_204 = tpu.memref_slice %arg8[%dma_wait3A_201, %dma_wait3A_202, %dma_wait3A_203] : memref<4x200x128xf32, #tpu.memory_space<vmem>> -> memref<1x200x128xf32, #tpu.memory_space<vmem>>
    %dma_wait3A_205 = tpu.memref_squeeze %dma_wait3A_204 : memref<1x200x128xf32, #tpu.memory_space<vmem>> -> memref<200x128xf32, #tpu.memory_space<vmem>>
    %dma_wait3A_206 = arith.constant 0 : i32
    %dma_wait3A_207 = arith.constant 0 : i32
    %dma_wait3A_208 = tpu.memref_slice %arg8[%dma_wait3A_201, %dma_wait3A_206, %dma_wait3A_207] : memref<4x200x128xf32, #tpu.memory_space<vmem>> -> memref<1x200x128xf32, #tpu.memory_space<vmem>>
    %dma_wait3A_209 = tpu.memref_squeeze %dma_wait3A_208 : memref<1x200x128xf32, #tpu.memory_space<vmem>> -> memref<200x128xf32, #tpu.memory_space<vmem>>
    tpu.wait_dma2 semaphore(%arg9 : memref<!tpu.dma_semaphore, #tpu.memory_space<semaphore_mem>>) src(%arg7 : memref<200x128xf32, #tpu.memory_space<vmem_shared>>) dst(%dma_wait3A_209 : memref<200x128xf32, #tpu.memory_space<vmem>>)
    %dma_start3A_210 = arith.constant 3 : i32
    %dma_start3A_211 = arith.constant 0 : i32
    %dma_start3A_212 = arith.constant 0 : i32
    %dma_start3A_213 = tpu.memref_slice %arg8[%dma_start3A_210, %dma_start3A_211, %dma_start3A_212] : memref<4x200x128xf32, #tpu.memory_space<vmem>> -> memref<1x120x128xf32, #tpu.memory_space<vmem>>
    %dma_start3A_214 = tpu.memref_squeeze %dma_start3A_213 : memref<1x120x128xf32, #tpu.memory_space<vmem>> -> memref<120x128xf32, #tpu.memory_space<vmem>>
    %dma_start3A_215 = arith.constant 6200 : i32
    %dma_start3A_216 = tpu.memref_slice %arg6[%dma_start3A_215] : memref<6400xi32, #tpu.memory_space<vmem>> -> memref<120xi32, #tpu.memory_space<vmem>>
    %dma_start3A_217 = arith.constant 0 : i32
    %dma_start3A_218 = arith.constant 0 : i32
    %dma_start3A_219 = tpu.memref_slice %arg3[%dma_start3A_217, %dma_start3A_218] : memref<100000x128xf32, #tpu.memory_space<hbm>> -> memref<100000x128xf32, #tpu.memory_space<hbm>>
    tpu.enqueue_indirect_dma source(%dma_start3A_219 : memref<100000x128xf32, #tpu.memory_space<hbm>>) target(%dma_start3A_214 : memref<120x128xf32, #tpu.memory_space<vmem>>) offsets(%dma_start3A_216 : memref<120xi32, #tpu.memory_space<vmem>>) semaphore(%arg10 : memref<!tpu.dma_semaphore, #tpu.memory_space<semaphore_mem>>) {add = true}
    %dma_start3A_220 = arith.constant 3 : i32
    %dma_start3A_221 = arith.constant 120 : i32
    %dma_start3A_222 = arith.constant 0 : i32
    %dma_start3A_223 = tpu.memref_slice %arg8[%dma_start3A_220, %dma_start3A_221, %dma_start3A_222] : memref<4x200x128xf32, #tpu.memory_space<vmem>> -> memref<1x80x128xf32, #tpu.memory_space<vmem>>
    %dma_start3A_224 = tpu.memref_squeeze %dma_start3A_223 : memref<1x80x128xf32, #tpu.memory_space<vmem>> -> memref<80x128xf32, #tpu.memory_space<vmem>>
    %dma_start3A_225 = arith.constant 6320 : i32
    %dma_start3A_226 = tpu.memref_slice %arg6[%dma_start3A_225] : memref<6400xi32, #tpu.memory_space<vmem>> -> memref<80xi32, #tpu.memory_space<vmem>>
    %dma_start3A_227 = arith.constant 0 : i32
    %dma_start3A_228 = arith.constant 0 : i32
    %dma_start3A_229 = tpu.memref_slice %arg3[%dma_start3A_227, %dma_start3A_228] : memref<100000x128xf32, #tpu.memory_space<hbm>> -> memref<100000x128xf32, #tpu.memory_space<hbm>>
    tpu.enqueue_indirect_dma source(%dma_start3A_229 : memref<100000x128xf32, #tpu.memory_space<hbm>>) target(%dma_start3A_224 : memref<80x128xf32, #tpu.memory_space<vmem>>) offsets(%dma_start3A_226 : memref<80xi32, #tpu.memory_space<vmem>>) semaphore(%arg10 : memref<!tpu.dma_semaphore, #tpu.memory_space<semaphore_mem>>) {add = true}
    %dma_wait3A_230 = arith.constant 2 : i32
    %dma_wait3A_231 = arith.constant 0 : i32
    %dma_wait3A_232 = arith.constant 0 : i32
    %dma_wait3A_233 = tpu.memref_slice %arg8[%dma_wait3A_230, %dma_wait3A_231, %dma_wait3A_232] : memref<4x200x128xf32, #tpu.memory_space<vmem>> -> memref<1x120x128xf32, #tpu.memory_space<vmem>>
    %dma_wait3A_234 = tpu.memref_squeeze %dma_wait3A_233 : memref<1x120x128xf32, #tpu.memory_space<vmem>> -> memref<120x128xf32, #tpu.memory_space<vmem>>
    %dma_wait3A_235 = arith.constant 0 : i32
    %dma_wait3A_236 = tpu.memref_slice %arg6[%dma_wait3A_235] : memref<6400xi32, #tpu.memory_space<vmem>> -> memref<120xi32, #tpu.memory_space<vmem>>
    %dma_wait3A_237 = arith.constant 0 : i32
    %dma_wait3A_238 = arith.constant 0 : i32
    %dma_wait3A_239 = tpu.memref_slice %arg3[%dma_wait3A_237, %dma_wait3A_238] : memref<100000x128xf32, #tpu.memory_space<hbm>> -> memref<100000x128xf32, #tpu.memory_space<hbm>>
    tpu.wait_indirect_dma semaphore(%arg10 : memref<!tpu.dma_semaphore, #tpu.memory_space<semaphore_mem>>) src(%dma_wait3A_239 : memref<100000x128xf32, #tpu.memory_space<hbm>>) dst(%dma_wait3A_234 : memref<120x128xf32, #tpu.memory_space<vmem>>)
    %dma_wait3A_240 = arith.constant 2 : i32
    %dma_wait3A_241 = arith.constant 120 : i32
    %dma_wait3A_242 = arith.constant 0 : i32
    %dma_wait3A_243 = tpu.memref_slice %arg8[%dma_wait3A_240, %dma_wait3A_241, %dma_wait3A_242] : memref<4x200x128xf32, #tpu.memory_space<vmem>> -> memref<1x80x128xf32, #tpu.memory_space<vmem>>
    %dma_wait3A_244 = tpu.memref_squeeze %dma_wait3A_243 : memref<1x80x128xf32, #tpu.memory_space<vmem>> -> memref<80x128xf32, #tpu.memory_space<vmem>>
    %dma_wait3A_245 = arith.constant 120 : i32
    %dma_wait3A_246 = tpu.memref_slice %arg6[%dma_wait3A_245] : memref<6400xi32, #tpu.memory_space<vmem>> -> memref<80xi32, #tpu.memory_space<vmem>>
    %dma_wait3A_247 = arith.constant 0 : i32
    %dma_wait3A_248 = arith.constant 0 : i32
    %dma_wait3A_249 = tpu.memref_slice %arg3[%dma_wait3A_247, %dma_wait3A_248] : memref<100000x128xf32, #tpu.memory_space<hbm>> -> memref<100000x128xf32, #tpu.memory_space<hbm>>
    tpu.wait_indirect_dma semaphore(%arg10 : memref<!tpu.dma_semaphore, #tpu.memory_space<semaphore_mem>>) src(%dma_wait3A_249 : memref<100000x128xf32, #tpu.memory_space<hbm>>) dst(%dma_wait3A_244 : memref<80x128xf32, #tpu.memory_space<vmem>>)
    %add3A_250 = arith.constant 6000 : i32
    %add3A_251 = arith.addi %mul3A_2, %add3A_250 : i32
    %dma_start3A_252 = arith.constant 2 : i32
    %dma_start3A_253 = arith.constant 0 : i32
    %dma_start3A_254 = arith.constant 0 : i32
    %dma_start3A_255 = tpu.memref_slice %arg8[%dma_start3A_252, %dma_start3A_253, %dma_start3A_254] : memref<4x200x128xf32, #tpu.memory_space<vmem>> -> memref<1x200x128xf32, #tpu.memory_space<vmem>>
    %dma_start3A_256 = tpu.memref_squeeze %dma_start3A_255 : memref<1x200x128xf32, #tpu.memory_space<vmem>> -> memref<200x128xf32, #tpu.memory_space<vmem>>
    %dma_start3A_257 = arith.constant 0 : i32
    %dma_start3A_258 = tpu.memref_slice %arg5[%add3A_251, %dma_start3A_257] : memref<204800x128xf32, #tpu.memory_space<hbm>> -> memref<200x128xf32, #tpu.memory_space<hbm>>
    %dma_start3A_259 = arith.constant 0 : i32
    %dma_start3A_260 = tpu.memref_slice %arg5[%add3A_251, %dma_start3A_259] : memref<204800x128xf32, #tpu.memory_space<hbm>> -> memref<200x128xf32, #tpu.memory_space<hbm>>
    %dma_start3A_261 = arith.constant 0 : i32
    %dma_start3A_262 = arith.constant 0 : i32
    %dma_start3A_263 = tpu.memref_slice %arg8[%dma_start3A_252, %dma_start3A_261, %dma_start3A_262] : memref<4x200x128xf32, #tpu.memory_space<vmem>> -> memref<1x200x128xf32, #tpu.memory_space<vmem>>
    %dma_start3A_264 = tpu.memref_squeeze %dma_start3A_263 : memref<1x200x128xf32, #tpu.memory_space<vmem>> -> memref<200x128xf32, #tpu.memory_space<vmem>>
    tpu.enqueue_dma source(%dma_start3A_264 : memref<200x128xf32, #tpu.memory_space<vmem>>) target(%dma_start3A_260 : memref<200x128xf32, #tpu.memory_space<hbm>>) target_semaphore(%arg11 : memref<!tpu.dma_semaphore, #tpu.memory_space<semaphore_mem>>)
    %dma_wait3A_265 = arith.constant 3 : i32
    %dma_wait3A_266 = arith.constant 0 : i32
    %dma_wait3A_267 = arith.constant 0 : i32
    %dma_wait3A_268 = tpu.memref_slice %arg8[%dma_wait3A_265, %dma_wait3A_266, %dma_wait3A_267] : memref<4x200x128xf32, #tpu.memory_space<vmem>> -> memref<1x120x128xf32, #tpu.memory_space<vmem>>
    %dma_wait3A_269 = tpu.memref_squeeze %dma_wait3A_268 : memref<1x120x128xf32, #tpu.memory_space<vmem>> -> memref<120x128xf32, #tpu.memory_space<vmem>>
    %dma_wait3A_270 = arith.constant 0 : i32
    %dma_wait3A_271 = tpu.memref_slice %arg6[%dma_wait3A_270] : memref<6400xi32, #tpu.memory_space<vmem>> -> memref<120xi32, #tpu.memory_space<vmem>>
    %dma_wait3A_272 = arith.constant 0 : i32
    %dma_wait3A_273 = arith.constant 0 : i32
    %dma_wait3A_274 = tpu.memref_slice %arg3[%dma_wait3A_272, %dma_wait3A_273] : memref<100000x128xf32, #tpu.memory_space<hbm>> -> memref<100000x128xf32, #tpu.memory_space<hbm>>
    tpu.wait_indirect_dma semaphore(%arg10 : memref<!tpu.dma_semaphore, #tpu.memory_space<semaphore_mem>>) src(%dma_wait3A_274 : memref<100000x128xf32, #tpu.memory_space<hbm>>) dst(%dma_wait3A_269 : memref<120x128xf32, #tpu.memory_space<vmem>>)
    %dma_wait3A_275 = arith.constant 3 : i32
    %dma_wait3A_276 = arith.constant 120 : i32
    %dma_wait3A_277 = arith.constant 0 : i32
    %dma_wait3A_278 = tpu.memref_slice %arg8[%dma_wait3A_275, %dma_wait3A_276, %dma_wait3A_277] : memref<4x200x128xf32, #tpu.memory_space<vmem>> -> memref<1x80x128xf32, #tpu.memory_space<vmem>>
    %dma_wait3A_279 = tpu.memref_squeeze %dma_wait3A_278 : memref<1x80x128xf32, #tpu.memory_space<vmem>> -> memref<80x128xf32, #tpu.memory_space<vmem>>
    %dma_wait3A_280 = arith.constant 120 : i32
    %dma_wait3A_281 = tpu.memref_slice %arg6[%dma_wait3A_280] : memref<6400xi32, #tpu.memory_space<vmem>> -> memref<80xi32, #tpu.memory_space<vmem>>
    %dma_wait3A_282 = arith.constant 0 : i32
    %dma_wait3A_283 = arith.constant 0 : i32
    %dma_wait3A_284 = tpu.memref_slice %arg3[%dma_wait3A_282, %dma_wait3A_283] : memref<100000x128xf32, #tpu.memory_space<hbm>> -> memref<100000x128xf32, #tpu.memory_space<hbm>>
    tpu.wait_indirect_dma semaphore(%arg10 : memref<!tpu.dma_semaphore, #tpu.memory_space<semaphore_mem>>) src(%dma_wait3A_284 : memref<100000x128xf32, #tpu.memory_space<hbm>>) dst(%dma_wait3A_279 : memref<80x128xf32, #tpu.memory_space<vmem>>)
    %add3A_285 = arith.constant 6200 : i32
    %add3A_286 = arith.addi %mul3A_2, %add3A_285 : i32
    %dma_start3A_287 = arith.constant 3 : i32
    %dma_start3A_288 = arith.constant 0 : i32
    %dma_start3A_289 = arith.constant 0 : i32
    %dma_start3A_290 = tpu.memref_slice %arg8[%dma_start3A_287, %dma_start3A_288, %dma_start3A_289] : memref<4x200x128xf32, #tpu.memory_space<vmem>> -> memref<1x200x128xf32, #tpu.memory_space<vmem>>
    %dma_start3A_291 = tpu.memref_squeeze %dma_start3A_290 : memref<1x200x128xf32, #tpu.memory_space<vmem>> -> memref<200x128xf32, #tpu.memory_space<vmem>>
    %dma_start3A_292 = arith.constant 0 : i32
    %dma_start3A_293 = tpu.memref_slice %arg5[%add3A_286, %dma_start3A_292] : memref<204800x128xf32, #tpu.memory_space<hbm>> -> memref<200x128xf32, #tpu.memory_space<hbm>>
    %dma_start3A_294 = arith.constant 0 : i32
    %dma_start3A_295 = tpu.memref_slice %arg5[%add3A_286, %dma_start3A_294] : memref<204800x128xf32, #tpu.memory_space<hbm>> -> memref<200x128xf32, #tpu.memory_space<hbm>>
    %dma_start3A_296 = arith.constant 0 : i32
    %dma_start3A_297 = arith.constant 0 : i32
    %dma_start3A_298 = tpu.memref_slice %arg8[%dma_start3A_287, %dma_start3A_296, %dma_start3A_297] : memref<4x200x128xf32, #tpu.memory_space<vmem>> -> memref<1x200x128xf32, #tpu.memory_space<vmem>>
    %dma_start3A_299 = tpu.memref_squeeze %dma_start3A_298 : memref<1x200x128xf32, #tpu.memory_space<vmem>> -> memref<200x128xf32, #tpu.memory_space<vmem>>
    tpu.enqueue_dma source(%dma_start3A_299 : memref<200x128xf32, #tpu.memory_space<vmem>>) target(%dma_start3A_295 : memref<200x128xf32, #tpu.memory_space<hbm>>) target_semaphore(%arg11 : memref<!tpu.dma_semaphore, #tpu.memory_space<semaphore_mem>>)
    %dma_wait3A_300 = arith.constant 0 : i32
    %dma_wait3A_301 = arith.constant 0 : i32
    %dma_wait3A_302 = arith.constant 0 : i32
    %dma_wait3A_303 = tpu.memref_slice %arg8[%dma_wait3A_300, %dma_wait3A_301, %dma_wait3A_302] : memref<4x200x128xf32, #tpu.memory_space<vmem>> -> memref<1x200x128xf32, #tpu.memory_space<vmem>>
    %dma_wait3A_304 = tpu.memref_squeeze %dma_wait3A_303 : memref<1x200x128xf32, #tpu.memory_space<vmem>> -> memref<200x128xf32, #tpu.memory_space<vmem>>
    %dma_wait3A_305 = arith.constant 0 : i32
    %dma_wait3A_306 = tpu.memref_slice %arg5[%mul3A_2, %dma_wait3A_305] : memref<204800x128xf32, #tpu.memory_space<hbm>> -> memref<200x128xf32, #tpu.memory_space<hbm>>
    %dma_wait3A_307 = arith.constant 0 : i32
    %dma_wait3A_308 = tpu.memref_slice %arg5[%mul3A_2, %dma_wait3A_307] : memref<204800x128xf32, #tpu.memory_space<hbm>> -> memref<200x128xf32, #tpu.memory_space<hbm>>
    %dma_wait3A_309 = arith.constant 0 : i32
    %dma_wait3A_310 = arith.constant 0 : i32
    %dma_wait3A_311 = tpu.memref_slice %arg8[%dma_wait3A_300, %dma_wait3A_309, %dma_wait3A_310] : memref<4x200x128xf32, #tpu.memory_space<vmem>> -> memref<1x200x128xf32, #tpu.memory_space<vmem>>
    %dma_wait3A_312 = tpu.memref_squeeze %dma_wait3A_311 : memref<1x200x128xf32, #tpu.memory_space<vmem>> -> memref<200x128xf32, #tpu.memory_space<vmem>>
    tpu.wait_dma2 semaphore(%arg11 : memref<!tpu.dma_semaphore, #tpu.memory_space<semaphore_mem>>) src(%dma_wait3A_312 : memref<200x128xf32, #tpu.memory_space<vmem>>) dst(%dma_wait3A_308 : memref<200x128xf32, #tpu.memory_space<hbm>>)
    %dma_wait3A_313 = arith.constant 1 : i32
    %dma_wait3A_314 = arith.constant 0 : i32
    %dma_wait3A_315 = arith.constant 0 : i32
    %dma_wait3A_316 = tpu.memref_slice %arg8[%dma_wait3A_313, %dma_wait3A_314, %dma_wait3A_315] : memref<4x200x128xf32, #tpu.memory_space<vmem>> -> memref<1x200x128xf32, #tpu.memory_space<vmem>>
    %dma_wait3A_317 = tpu.memref_squeeze %dma_wait3A_316 : memref<1x200x128xf32, #tpu.memory_space<vmem>> -> memref<200x128xf32, #tpu.memory_space<vmem>>
    %dma_wait3A_318 = arith.constant 0 : i32
    %dma_wait3A_319 = tpu.memref_slice %arg5[%mul3A_2, %dma_wait3A_318] : memref<204800x128xf32, #tpu.memory_space<hbm>> -> memref<200x128xf32, #tpu.memory_space<hbm>>
    %dma_wait3A_320 = arith.constant 0 : i32
    %dma_wait3A_321 = tpu.memref_slice %arg5[%mul3A_2, %dma_wait3A_320] : memref<204800x128xf32, #tpu.memory_space<hbm>> -> memref<200x128xf32, #tpu.memory_space<hbm>>
    %dma_wait3A_322 = arith.constant 0 : i32
    %dma_wait3A_323 = arith.constant 0 : i32
    %dma_wait3A_324 = tpu.memref_slice %arg8[%dma_wait3A_313, %dma_wait3A_322, %dma_wait3A_323] : memref<4x200x128xf32, #tpu.memory_space<vmem>> -> memref<1x200x128xf32, #tpu.memory_space<vmem>>
    %dma_wait3A_325 = tpu.memref_squeeze %dma_wait3A_324 : memref<1x200x128xf32, #tpu.memory_space<vmem>> -> memref<200x128xf32, #tpu.memory_space<vmem>>
    tpu.wait_dma2 semaphore(%arg11 : memref<!tpu.dma_semaphore, #tpu.memory_space<semaphore_mem>>) src(%dma_wait3A_325 : memref<200x128xf32, #tpu.memory_space<vmem>>) dst(%dma_wait3A_321 : memref<200x128xf32, #tpu.memory_space<hbm>>)
    %dma_wait3A_326 = arith.constant 2 : i32
    %dma_wait3A_327 = arith.constant 0 : i32
    %dma_wait3A_328 = arith.constant 0 : i32
    %dma_wait3A_329 = tpu.memref_slice %arg8[%dma_wait3A_326, %dma_wait3A_327, %dma_wait3A_328] : memref<4x200x128xf32, #tpu.memory_space<vmem>> -> memref<1x200x128xf32, #tpu.memory_space<vmem>>
    %dma_wait3A_330 = tpu.memref_squeeze %dma_wait3A_329 : memref<1x200x128xf32, #tpu.memory_space<vmem>> -> memref<200x128xf32, #tpu.memory_space<vmem>>
    %dma_wait3A_331 = arith.constant 0 : i32
    %dma_wait3A_332 = tpu.memref_slice %arg5[%mul3A_2, %dma_wait3A_331] : memref<204800x128xf32, #tpu.memory_space<hbm>> -> memref<200x128xf32, #tpu.memory_space<hbm>>
    %dma_wait3A_333 = arith.constant 0 : i32
    %dma_wait3A_334 = tpu.memref_slice %arg5[%mul3A_2, %dma_wait3A_333] : memref<204800x128xf32, #tpu.memory_space<hbm>> -> memref<200x128xf32, #tpu.memory_space<hbm>>
    %dma_wait3A_335 = arith.constant 0 : i32
    %dma_wait3A_336 = arith.constant 0 : i32
    %dma_wait3A_337 = tpu.memref_slice %arg8[%dma_wait3A_326, %dma_wait3A_335, %dma_wait3A_336] : memref<4x200x128xf32, #tpu.memory_space<vmem>> -> memref<1x200x128xf32, #tpu.memory_space<vmem>>
    %dma_wait3A_338 = tpu.memref_squeeze %dma_wait3A_337 : memref<1x200x128xf32, #tpu.memory_space<vmem>> -> memref<200x128xf32, #tpu.memory_space<vmem>>
    tpu.wait_dma2 semaphore(%arg11 : memref<!tpu.dma_semaphore, #tpu.memory_space<semaphore_mem>>) src(%dma_wait3A_338 : memref<200x128xf32, #tpu.memory_space<vmem>>) dst(%dma_wait3A_334 : memref<200x128xf32, #tpu.memory_space<hbm>>)
    %dma_wait3A_339 = arith.constant 3 : i32
    %dma_wait3A_340 = arith.constant 0 : i32
    %dma_wait3A_341 = arith.constant 0 : i32
    %dma_wait3A_342 = tpu.memref_slice %arg8[%dma_wait3A_339, %dma_wait3A_340, %dma_wait3A_341] : memref<4x200x128xf32, #tpu.memory_space<vmem>> -> memref<1x200x128xf32, #tpu.memory_space<vmem>>
    %dma_wait3A_343 = tpu.memref_squeeze %dma_wait3A_342 : memref<1x200x128xf32, #tpu.memory_space<vmem>> -> memref<200x128xf32, #tpu.memory_space<vmem>>
    %dma_wait3A_344 = arith.constant 0 : i32
    %dma_wait3A_345 = tpu.memref_slice %arg5[%mul3A_2, %dma_wait3A_344] : memref<204800x128xf32, #tpu.memory_space<hbm>> -> memref<200x128xf32, #tpu.memory_space<hbm>>
    %dma_wait3A_346 = arith.constant 0 : i32
    %dma_wait3A_347 = tpu.memref_slice %arg5[%mul3A_2, %dma_wait3A_346] : memref<204800x128xf32, #tpu.memory_space<hbm>> -> memref<200x128xf32, #tpu.memory_space<hbm>>
    %dma_wait3A_348 = arith.constant 0 : i32
    %dma_wait3A_349 = arith.constant 0 : i32
    %dma_wait3A_350 = tpu.memref_slice %arg8[%dma_wait3A_339, %dma_wait3A_348, %dma_wait3A_349] : memref<4x200x128xf32, #tpu.memory_space<vmem>> -> memref<1x200x128xf32, #tpu.memory_space<vmem>>
    %dma_wait3A_351 = tpu.memref_squeeze %dma_wait3A_350 : memref<1x200x128xf32, #tpu.memory_space<vmem>> -> memref<200x128xf32, #tpu.memory_space<vmem>>
    tpu.wait_dma2 semaphore(%arg11 : memref<!tpu.dma_semaphore, #tpu.memory_space<semaphore_mem>>) src(%dma_wait3A_351 : memref<200x128xf32, #tpu.memory_space<vmem>>) dst(%dma_wait3A_347 : memref<200x128xf32, #tpu.memory_space<hbm>>)
    return
  }
}

</mosaic_0001>

<sc_bundles>
// kernel: kernel.3.cloned.1.call-start
scs
__scs_entry_jumppad:
0x0: {  	(pc) =	sbr.rel $0x88, $3  }
0x1: {  	(tag) =	ssettag $0x0;
	lr =	simm.s32 $0x1  }
0x2: {  	[smem:$0x3F9F] =	sst lr;
	_ =	strace $0xD0000000  }
0x3: {  	_ = 	snop  }
0x4: {  	_ = 	snop  }
0x5: {  	_ = 	snop  }
0x6: {  	_ = 	snop  }
0x7: {  	_ = 	snop  }
__scs_overlays_trampoline_lowered:
0x8: {  	[smem:$0x3FAE] =	sst s0  }
0x9: {  	[smem:$0x3FAF] =	sst s1  }
0xa: {  	[smem:$0x3FB0] =	sst s2  }
0xb: {  	[smem:$0x3FB1] =	sst s3  }
0xc: {  	[smem:$0x3FB2] =	sst s4  }
0xd: {  	[smem:$0x3FB3] =	sst s5  }
0xe: {  	[smem:$0x3FB4] =	sst s6  }
0xf: {  	[smem:$0x3FB5] =	sst s7  }
0x10: {  	[smem:$0x3FB6] =	sst s8  }
0x11: {  	[smem:$0x3FB7] =	sst s9;
	s0 =	simm.s32 @!p0 $0x0  }
0x12: {  	s1 =	sld [smem:$0x3F9D];
	s0 =	simm.s32 @p0 $0x1  }
0x13: {  	[smem:$0x3FB8] =	sst s0;
	s0 =	simm.s32 @!p1 $0x0  }
0x14: {  	s2 =	sld [smem:$0x3F9C];
	s0 =	simm.s32 @p1 $0x1  }
0x15: {  	[smem:$0x3FB9] =	sst s0;
	s0 =	simm.s32 @!p2 $0x0  }
0x16: {  	s3 =	sld [smem:$0x3FDB];
	s0 =	simm.s32 @p2 $0x1  }
0x17: {  	s4 =	simm.s32 $0x1BF5;
	[smem:$0x3FBB] =	sst s0  }
0x18: {  	s0 =	sld [smem:$0x3F9E];
	_ =	swait.ge [sflag:s4], $0x0  }
0x19: {  	s7 =	sld [smem:$0x3F9F]  }
0x1a: {  	s8 =	sadd.s32 $0xFFFFE003, lr  }
0x1b: {  	s9 =	sadd.s32 $0xFFFFFEF7, lr;
	s5 =	simm.s32 $0xFFFFFFFF;
	p2 =	slt.u32 s8, $0xFFFFF086  }
0x1c: {  	p1 =	slt.u32 s9, $0xF7A;
	s5 =	simm.s32 @!p2 $0x0  }
0x1d: {  	s5 =	simm.s32 @p1 $0x1;
	p0 =	seq.s32 s7, s2  }
0x1e: {  	s7 =	smul.u32 @!p0 $0xF7A, s2;
	p2 =	seq.s32 @!p0 s5, $0x0  }
0x1f: {  	s9 =	smul.u32 $0xF7A, s1;
	s8 =	simm.s32 @!p0 $0x1BF5;
	p2 =	por !p2, p0  }
0x20: {  	[sflag:s8] =	ssyncset.s32 @!p0 $0xFFFFF086;
	s6 =	sadd.s32 @!p0 s3, s7;
	s7 =	simm.s32 @!p0 $0x108  }
0x21: {  	s3 =	sadd.s32 s3, s9;
	s6 =	sadd.s32 @!p0 $0x88, s6;
	s7 =	simm.s32 @p2 $0x1082  }
0x22: {  	[simem:s7], [sflag:s8] =	dma.local @!p0 [hbm:s6], $0xF7A  }
0x23: {  	s9 =	sor.u32 $0xD0000000, s2;
	s6 =	simm.s32 $0x108;
	_ =	swait.ge @!p0 [sflag:s8], $0x0  }
0x24: {  	s3 =	sadd.s32 $0x88, s3;
	s6 =	simm.s32 @!p1 $0x1082;
	[sflag:s4] =	ssyncset.s32 $0xFFFFF086  }
0x25: {  	[simem:s6], [sflag:s4] =	dma.local [hbm:s3], $0xF7A  }
0x26: {  	[smem:$0x3F9F] =	sst s1;
	(tag) =	ssettag s2;
	_ =	strace s9  }
0x27: {  	s1 =	sld [smem:$0x3FAF]  }
0x28: {  	s2 =	sld [smem:$0x3FB0]  }
0x29: {  	s4 =	sld [smem:$0x3FB2]  }
0x2a: {  	p0 =	seq.s32 s5, $0x0;
	s5 =	sld [smem:$0x3FB3]  }
0x2b: {  	s6 =	sld [smem:$0x3FB4]  }
0x2c: {  	s7 =	sld [smem:$0x3FB5]  }
0x2d: {  	s3 =	simm.s32 $0x108;
	s8 =	sld [smem:$0x3FB6]  }
0x2e: {  	s3 =	simm.s32 @!p0 $0x1082;
	s9 =	sld [smem:$0x3FB7]  }
0x2f: {  	lr =	sadd.s32 s0, s3;
	s0 =	sld [smem:$0x3FAE]  }
0x30: {  	s3 =	sld [smem:$0x3FB1]  }
0x31: {  	[smem:$0x3FBA] =	sst s10  }
0x32: {  	s10 =	sld [smem:$0x3FB8];
	_ =	sdelay $0x3  }
0x33: {  	p0 =	seq.s32 s10, $0x1;
	s10 =	sld [smem:$0x3FBA];
	_ =	sdelay $0x3  }
0x34: {  	[smem:$0x3FBA] =	sst s10  }
0x35: {  	s10 =	sld [smem:$0x3FB9];
	_ =	sdelay $0x3  }
0x36: {  	p1 =	seq.s32 s10, $0x1;
	s10 =	sld [smem:$0x3FBA];
	_ =	sdelay $0x3  }
0x37: {  	[smem:$0x3FBA] =	sst s10  }
0x38: {  	s10 =	sld [smem:$0x3FBB]  }
0x39: {  	_ = 	snop;
	(pc) =	sbr.ind lr, $3  }
0x3a: {  	_ = 	snop  }
0x3b: {  	_ = 	snop  }
0x3c: {  	p2 =	seq.s32 s10, $0x1;
	s10 =	sld [smem:$0x3FBA]  }
0x3d: {  	_ =	shalt  }
0x3e: {  	_ =	shalt  }
0x3f: {  	_ =	shalt  }
0x40: {  	_ =	shalt  }
0x41: {  	_ =	shalt  }
0x42: {  	_ =	shalt  }
0x43: {  	_ =	shalt  }
0x44: {  	_ =	shalt  }
0x45: {  	_ =	shalt  }
0x46: {  	_ =	shalt  }
0x47: {  	_ =	shalt  }
0x48: {  	_ =	shalt  }
0x49: {  	_ =	shalt  }
0x4a: {  	_ =	shalt  }
0x4b: {  	_ =	shalt  }
0x4c: {  	_ =	shalt  }
0x4d: {  	_ =	shalt  }
0x4e: {  	_ =	shalt  }
0x4f: {  	_ =	shalt  }
0x50: {  	_ =	shalt  }
0x51: {  	_ =	shalt  }
0x52: {  	_ =	shalt  }
0x53: {  	_ =	shalt  }
0x54: {  	_ =	shalt  }
0x55: {  	_ =	shalt  }
0x56: {  	_ =	shalt  }
0x57: {  	_ =	shalt  }
0x58: {  	_ =	shalt  }
0x59: {  	_ =	shalt  }
0x5a: {  	_ =	shalt  }
0x5b: {  	_ =	shalt  }
0x5c: {  	_ =	shalt  }
0x5d: {  	_ =	shalt  }
0x5e: {  	_ =	shalt  }
0x5f: {  	_ =	shalt  }
0x60: {  	_ =	shalt  }
0x61: {  	_ =	shalt  }
0x62: {  	_ =	shalt  }
0x63: {  	_ =	shalt  }
0x64: {  	_ =	shalt  }
0x65: {  	_ =	shalt  }
0x66: {  	_ =	shalt  }
0x67: {  	_ =	shalt  }
0x68: {  	_ =	shalt  }
0x69: {  	_ =	shalt  }
0x6a: {  	_ =	shalt  }
0x6b: {  	_ =	shalt  }
0x6c: {  	_ =	shalt  }
0x6d: {  	_ =	shalt  }
0x6e: {  	_ =	shalt  }
0x6f: {  	_ =	shalt  }
0x70: {  	_ =	shalt  }
0x71: {  	_ =	shalt  }
0x72: {  	_ =	shalt  }
0x73: {  	_ =	shalt  }
0x74: {  	_ =	shalt  }
0x75: {  	_ =	shalt  }
0x76: {  	_ =	shalt  }
0x77: {  	_ =	shalt  }
0x78: {  	_ =	shalt  }
0x79: {  	_ =	shalt  }
0x7a: {  	_ =	shalt  }
0x7b: {  	_ =	shalt  }
0x7c: {  	_ =	shalt  }
0x7d: {  	_ =	shalt  }
0x7e: {  	_ =	shalt  }
0x7f: {  	_ =	shalt  }
0x80: {  	_ =	shalt  }
0x81: {  	_ =	shalt  }
0x82: {  	_ =	shalt  }
0x83: {  	_ =	shalt  }
0x84: {  	_ =	shalt  }
0x85: {  	_ =	shalt  }
0x86: {  	_ =	shalt  }
0x87: {  	_ =	shalt  }
.Lfunc_end0:
.L_simem_size_0:
called_computation_lowered:
.L_overlay_start_0:
0x88: {  	s2 =	sld [smem:$0x3FD9]  }
0x89: {  	s3 =	sld [smem:$0x3FFE];
	_ =	sdelay $0x1  }
0x8a: {  	s1 =	srdreg.scid  }
0x8b: {  	s0 =	sand.u32 $0x1, s1  }
0x8c: {  	s17 =	sshll.u32 s0, $0xA;
	s2 =	sadd.s32 s3, s2  }
0x8d: {  	s2 =	sadd.s32 s2, s17  }
0x8e: {  	[smem:$0x3FC6] =	sst s2  }
0x8f: {  	_ = 	snop  }
0x90: {  	s2 =	sld [smem:$0x3FC8]  }
0x91: {  	s18 =	sld [smem:$0x3FD0];
	(tm) =	ssettm $0x1  }
0x92: {  	s4 =	sld [smem:$0x3FFB];
	_ =	sdelay $0x3  }
0x93: {  	_ =	strace s4  }
0x94: {  	s4 =	sld [smem:$0x3FFC];
	_ =	sdelay $0x3  }
0x95: {  	_ =	strace s4  }
0x96: {  	s4 =	sld [smem:$0x3FFD];
	_ =	sdelay $0x3  }
0x97: {  	_ =	strace s4  }
0x98: {  	_ =	strace $0x8FFFFFFF  }
0x99: {  	s19 =	sld [smem:$0x3FDB];
	_ =	sdelay $0x1  }
0x9a: {  	s5 =	simm.s32 $_scs_section_size  }
0x9b: {  	s6 =	simm.s32 $_size__tile_overlayer_lowered;
	s7 =	simm.s32 $_tile_overlayer_lowered  }
0x9c: {  	s22 =	simm.s32 $0x1BFF;
	s21 =	sshll.u32 s7, $0x1;
	s4 =	sadd.s32 s5, s19  }
0x9d: {  	s8 =	simm.s32 $0x0;
	s20 =	sshll.u32 s6, $0x1;
	s6 =	sadd.s32 s21, s4  }
0x9e: {  	[timem:s8], [sflag:s22] =	dma.local [hbm:s6], s20  }
0x9f: {  	_ =	swait.ge [sflag:s22], s20  }
0xa0: {  	s5 =	ssub.s32 $0x0, s20;
	[sflag:s22] =	ssyncset.done $0x0  }
0xa1: {  	[sflag:s22] =	ssyncadd.s32 s5;
	_ =	sdelay $0x1  }
0xa2: {  	s23 =	simm.s32 $0x1B8B  }
0xa3: {  	_ =	swait.ge [sflag:s23], $0x1  }
0xa4: {  	[sflag:s23] =	ssyncset.done $0x0  }
0xa5: {  	s25 =	simm.s32 $0x1B8E;
	s24 =	sld [smem:$0x3FFE];
	[sflag:s23] =	ssyncadd.s32 $0xFFFFFFFF  }
0xa6: {  	s26 =	simm.s32 $execute0_lowered;
	[smem:$0x3FD2] =	sst s25  }
0xa7: {  	s6 =	sshll.u32 s26, $0x1;
	_ =	strace $0x80000046;
	[dreg:$0x1] =	wrdreg $0xFFFFFFFF  }
0xa8: {  	s28 =	simm.s32 $_size_execute0_lowered;
	s4 =	sadd.s32 s4, s6;
	[dreg:$0x0] =	wrdreg $0x0  }
0xa9: {  	s6 =	sshll.u32 s28, $0x1;
	[dreg:$0x2] =	wrdreg s4  }
0xaa: {  	[dreg:$0x3] =	wrdreg s6  }
0xab: {  	[dreg:$0x4] =	wrdreg $0xC0  }
0xac: {  	_ =	task [dreg:s8], $0x5FFFF  }
0xad: {  	[dreg:$0x1] =	wrdreg $0xFFFFFFFF  }
0xae: {  	[dreg:$0x0] =	wrdreg $0x60  }
0xaf: {  	[dreg:$0x2] =	wrdreg s24  }
0xb0: {  	[dreg:$0x3] =	wrdreg s2  }
0xb1: {  	[dreg:$0x4] =	wrdreg s18  }
0xb2: {  	[dreg:$0x5] =	wrdreg $0x19000  }
0xb3: {  	[dreg:$0x6] =	wrdreg $0x9  }
0xb4: {  	_ =	task.clear_ibuf [dreg:s8], $0x7FFFF;
	_ =	strace $0x90000046  }
0xb5: {  	s29 =	simm.s32 $0x9;
	_ =	strace $0x80000048  }
0xb6: {  	_ =	swait.ge [sflag:s29], $0x1  }
0xb7: {  	[sflag:s29] =	ssyncadd.s32 $0xFFFFFFFF  }
0xb8: {  	_ =	strace $0x90000048  }
0xb9: {  	_ =	sfence  }
0xba: {  	s30 =	sld [smem:$0x0];
	_ =	sdelay $0x2  }
0xbb: {  	s31 =	sshll.u32 s1, $0xD;
	s1 =	sshrl.u32 s1, $0x2  }
0xbc: {  	s3 =	sand.u32 $0x4000, s31;
	s1 =	sadd.s32 s1, s30  }
0xbd: {  	s0 =	sor.u32 s3, s0;
	s1 =	sshll.u32 s1, $0x11  }
0xbe: {  	s0 =	sor.u32 s1, s0  }
0xbf: {  	s0 =	sadd.s32 $0x8F2B, s0  }
0xc0: {  	[sflag:s0] =	ssyncadd.remote.s32 $0x1  }
0xc1: {  	_ =	sfence.sel $0xFFFF  }
0xc2: {  	[dreg:$0x0] =	wrdreg $0xFFFFFFFF;
	(pc) =	sbr.abs _section_cstart, $3  }
0xc3: {  	[dreg:$0x1] =	wrdreg $0xFFFFFFFF  }
0xc4: {  	_ =	task.clear_ibuf [dreg:s8], $0x2FFFF;
	_ =	strace $0x9FFFFFFF  }
0xc5: {  	(tm) =	ssettm $0x7FFFFFFF  }
tec
execute0_lowered:
.L_overlay_start_1:
0x0: {  	(tag) =	ssettag $0x1  }
0x1: {  	s1 =	rddreg [dreg:$0x0]  }
0x2: {  	s0 =	rddreg [dreg:$0x1];
	s2 =	srdreg.scid  }
0x3: {  	s11 =	stileid.u32;
	s8 =	rddreg [dreg:$0x2]  }
0x4: {  	s14 =	simm.s32 $0x8340;
	s15 =	simm.s32 $0xE740;
	s16 =	simm.s32 $0x14B40  }
0x5: {  	s17 =	simm.s32 $0x1;
	s18 =	simm.s32 $0x78;
	s19 =	simm.s32 $0x50  }
0x6: {  	s20 =	simm.s32 $0x5B40;
	s23 =	simm.s32 $0xBF40;
	s28 =	simm.s32 $0x2  }
0x7: {  	s29 =	simm.s32 $0x3;
	s30 =	simm.s32 $0x18740;
	s21 =	simm.s32 $0x0  }
0x8: {  	s7 =	sand.u32 $0x1, s2;
	s3 =	sshll.u32 s11, $0x1;
	s25 =	smul.u32 $0x32000, s11  }
0x9: {  	s2 =	rddreg [dreg:$0x3];
	s5 =	sor.u32 s7, s3;
	s31 =	smul.u32 $0x19000, s7  }
0xa: {  	p0 =	sne.s32 s11, $0x0;
	s3 =	simm.s32 $0x0;
	s4 =	smul.u32 $0x1900, s5  }
0xb: {  	s9 =	ssub.s32 $0x2, s7;
	[smem:$0x7FF] =	sst s3;
	s12 =	smul.u32 $0xC8000, s5  }
0xc: {  	s10 =	smul.u32 $0x19000, s5;
	s24 =	sshrl.u32 s9, $0x1;
	s13 =	sadd.s32 s25, s8  }
0xd: {  	_ =	strace $0x80000047;
	s4 =	sshrl.u32 s4, $0x3;
	s26 =	sshrl.u32 s12, $0x3  }
0xe: {  	s12 =	sadd.s32 s31, s13;
	s13 =	simm.s32 $0x1F40;
	s6 =	sadd.s32 s4, s1  }
0xf: {  	s4 =	sadd.s32 $0x6800, s1;
	s1 =	ssub.s32 s9, s24;
	s25 =	sadd.s32 $0x3E80, s12  }
0x10: {  	s12 =	simm.s32 $0x4;
	s5 =	sadd.s32 $0x400, s6;
	s6 =	sadd.s32 s8, s10  }
0x11: {  	s10 =	sadd.s32 s8, s26;
	s26 =	simm.s32 $0x12340;
	s7 =	sadd.s32 $0xC80, s6  }
0x12: {  	s8 =	sadd.s32 $0x17700, s10;
	s9 =	sadd.s32 $0x18380, s10;
	s10 =	smax.u32 s1, $0x1  }
.LBB2_1:
0x13: {  	[tilespmem:s3], [sflag:$0x4] =	stream.linear.gather [hbm4b:s5+s3], $0x1900, $0x38;
	[tilespmem:$0x1AF40] =	vst v63  }
0x14: {  	_ =	swait.ge [sflag:s12], $0x1900  }
0x15: {  	[sflag:s12] =	ssyncset.done $0x0  }
0x16: {  	s11 =	simm.s32 @!p0 $0x0;
	s22 =	simm.s32 @!p0 $0x1F40;
	[sflag:s12] =	ssyncadd.s32 $0xFFFFE700  }
0x17: {  	[tilespmem:s22], [sflag:$0x4] =	stream.linear.gather @!p0 [hbm4b:s4+s11], $0x6400, $0x38;
	[tilespmem:$0x1AF40] =	vst v63  }
0x18: {  	s11 =	simm.s32 @!p0 $0x4  }
0x19: {  	_ =	swait.ge @!p0 [sflag:s11], $0x6400  }
0x1a: {  	[sflag:s11] =	ssyncset.done @!p0 $0x0  }
0x1b: {  	[sflag:s11] =	ssyncadd.s32 @!p0 $0xFFFF9C00  }
0x1c: {  	[spmem:s2] =	stream.linear.scatter @!p0 [tilespmem:s22], [sflag:$0x4], $0x6400, $0x38;
	[tilespmem:$0x1AF40] =	vst v63  }
0x1d: {  	_ =	swait.ge @!p0 [sflag:s11], $0x6400  }
0x1e: {  	[sflag:s11] =	ssyncset.done @!p0 $0x0  }
0x1f: {  	[sflag:s11] =	ssyncadd.s32 @!p0 $0xFFFF9C00  }
0x20: {  	[bflag:$0x0] =	sbarrier.arrive $0xFFFF  }
0x21: {  	[tilespmem:s13], [sflag:$0x1] =	stream.linear.gather [spmem:s2], $0x6400, $0x38;
	[tilespmem:$0x1AF40] =	vst v63  }
0x22: {  	_ = 	snop  }
0x23: {  	[tilespmem:s14], [sflag:$0x1] =	stream.linear.gather [spmem:s2], $0x6400, $0x38;
	[tilespmem:$0x1AF40] =	vst v63  }
0x24: {  	_ = 	snop  }
0x25: {  	[tilespmem:s15], [sflag:$0x1] =	stream.linear.gather [spmem:s2], $0x6400, $0x38;
	[tilespmem:$0x1AF40] =	vst v63  }
0x26: {  	_ = 	snop  }
0x27: {  	[tilespmem:s16], [sflag:$0x1] =	stream.linear.gather [spmem:s2], $0x6400, $0x38;
	[tilespmem:$0x1AF40] =	vst v63  }
0x28: {  	_ =	swait.ge [sflag:s17], $0x6400  }
0x29: {  	[sflag:s17] =	ssyncset.done $0x0  }
0x2a: {  	[sflag:s17] =	ssyncadd.s32 $0xFFFF9C00  }
0x2b: {  	[tilespmem:s13], [sflag:$0x2] =	stream.indirect.gather.add.f32 [hbm:s0], $0x80, s3, s18, $0xb8;
	[tilespmem:$0x1AF40] =	vst v63  }
0x2c: {  	_ = 	snop  }
0x2d: {  	[tilespmem:s20], [sflag:$0x2] =	stream.indirect.gather.add.f32 [hbm:s0], $0x80, s18, s19, $0xb8;
	[tilespmem:$0x1AF40] =	vst v63  }
0x2e: {  	_ =	swait.ge [sflag:s17], $0x6400  }
0x2f: {  	[sflag:s17] =	ssyncset.done $0x0  }
0x30: {  	s1 =	simm.s32 $0xC8;
	[sflag:s17] =	ssyncadd.s32 $0xFFFF9C00  }
0x31: {  	[tilespmem:s14], [sflag:$0x2] =	stream.indirect.gather.add.f32 [hbm:s0], $0x80, s1, s18, $0xb8;
	[tilespmem:$0x1AF40] =	vst v63  }
0x32: {  	s24 =	simm.s32 $0x140  }
0x33: {  	[tilespmem:s23], [sflag:$0x2] =	stream.indirect.gather.add.f32 [hbm:s0], $0x80, s24, s19, $0xb8;
	[tilespmem:$0x1AF40] =	vst v63  }
0x34: {  	_ =	swait.ge [sflag:s17], $0x6400  }
0x35: {  	[sflag:s17] =	ssyncset.done $0x0  }
0x36: {  	s31 =	simm.s32 $0x190;
	[sflag:s17] =	ssyncadd.s32 $0xFFFF9C00  }
0x37: {  	[tilespmem:s15], [sflag:$0x2] =	stream.indirect.gather.add.f32 [hbm:s0], $0x80, s31, s18, $0xb8;
	[tilespmem:$0x1AF40] =	vst v63  }
0x38: {  	s11 =	simm.s32 $0x208  }
0x39: {  	[tilespmem:s26], [sflag:$0x2] =	stream.indirect.gather.add.f32 [hbm:s0], $0x80, s11, s19, $0xb8;
	[tilespmem:$0x1AF40] =	vst v63  }
0x3a: {  	_ =	swait.ge [sflag:s28], $0x3C00  }
0x3b: {  	[sflag:s28] =	ssyncset.done $0x0  }
0x3c: {  	[sflag:s28] =	ssyncadd.s32 $0xFFFFC400  }
0x3d: {  	_ =	swait.ge [sflag:s28], $0x2800  }
0x3e: {  	[sflag:s28] =	ssyncset.done $0x0  }
0x3f: {  	[sflag:s28] =	ssyncadd.s32 $0xFFFFD800  }
0x40: {  	[hbm4b:s6+s3] =	stream.linear.scatter [tilespmem:s13], [sflag:$0x3], $0x6400, $0x38;
	[tilespmem:$0x1AF40] =	vst v63  }
0x41: {  	_ =	swait.ge [sflag:s28], $0x3C00  }
0x42: {  	[sflag:s28] =	ssyncset.done $0x0  }
0x43: {  	[sflag:s28] =	ssyncadd.s32 $0xFFFFC400  }
0x44: {  	_ =	swait.ge [sflag:s28], $0x2800  }
0x45: {  	[sflag:s28] =	ssyncset.done $0x0  }
0x46: {  	[sflag:s28] =	ssyncadd.s32 $0xFFFFD800  }
0x47: {  	[hbm4b:s7+s3] =	stream.linear.scatter [tilespmem:s14], [sflag:$0x3], $0x6400, $0x38;
	[tilespmem:$0x1AF40] =	vst v63  }
0x48: {  	_ =	swait.ge [sflag:s29], $0x6400  }
0x49: {  	[sflag:s29] =	ssyncset.done $0x0  }
0x4a: {  	[sflag:s29] =	ssyncadd.s32 $0xFFFF9C00  }
0x4b: {  	[tilespmem:s13], [sflag:$0x1] =	stream.linear.gather [spmem:s2], $0x6400, $0x38;
	[tilespmem:$0x1AF40] =	vst v63  }
0x4c: {  	_ =	swait.ge [sflag:s17], $0x6400  }
0x4d: {  	[sflag:s17] =	ssyncset.done $0x0  }
0x4e: {  	s22 =	simm.s32 $0x258;
	[sflag:s17] =	ssyncadd.s32 $0xFFFF9C00  }
0x4f: {  	[tilespmem:s16], [sflag:$0x2] =	stream.indirect.gather.add.f32 [hbm:s0], $0x80, s22, s18, $0xb8;
	[tilespmem:$0x1AF40] =	vst v63  }
0x50: {  	s24 =	simm.s32 $0x2D0  }
0x51: {  	[tilespmem:s30], [sflag:$0x2] =	stream.indirect.gather.add.f32 [hbm:s0], $0x80, s24, s19, $0xb8;
	[tilespmem:$0x1AF40] =	vst v63  }
0x52: {  	_ =	swait.ge [sflag:s28], $0x3C00  }
0x53: {  	[sflag:s28] =	ssyncset.done $0x0  }
0x54: {  	[sflag:s28] =	ssyncadd.s32 $0xFFFFC400  }
0x55: {  	_ =	swait.ge [sflag:s28], $0x2800  }
0x56: {  	[sflag:s28] =	ssyncset.done $0x0  }
0x57: {  	s31 =	sadd.s32 $0xFFFFDA80, s25;
	[sflag:s28] =	ssyncadd.s32 $0xFFFFD800  }
0x58: {  	[hbm4b:s31+s3] =	stream.linear.scatter [tilespmem:s15], [sflag:$0x3], $0x6400, $0x38;
	[tilespmem:$0x1AF40] =	vst v63  }
0x59: {  	_ =	swait.ge [sflag:s29], $0x6400  }
0x5a: {  	[sflag:s29] =	ssyncset.done $0x0  }
0x5b: {  	[sflag:s29] =	ssyncadd.s32 $0xFFFF9C00  }
0x5c: {  	[tilespmem:s14], [sflag:$0x1] =	stream.linear.gather [spmem:s2], $0x6400, $0x38;
	[tilespmem:$0x1AF40] =	vst v63  }
0x5d: {  	_ =	swait.ge [sflag:s17], $0x6400  }
0x5e: {  	[sflag:s17] =	ssyncset.done $0x0  }
0x5f: {  	s1 =	simm.s32 $0x320;
	[sflag:s17] =	ssyncadd.s32 $0xFFFF9C00  }
0x60: {  	[tilespmem:s13], [sflag:$0x2] =	stream.indirect.gather.add.f32 [hbm:s0], $0x80, s1, s18, $0xb8;
	[tilespmem:$0x1AF40] =	vst v63  }
0x61: {  	s22 =	simm.s32 $0x398  }
0x62: {  	[tilespmem:s20], [sflag:$0x2] =	stream.indirect.gather.add.f32 [hbm:s0], $0x80, s22, s19, $0xb8;
	[tilespmem:$0x1AF40] =	vst v63  }
0x63: {  	_ =	swait.ge [sflag:s28], $0x3C00  }
0x64: {  	[sflag:s28] =	ssyncset.done $0x0  }
0x65: {  	[sflag:s28] =	ssyncadd.s32 $0xFFFFC400  }
0x66: {  	_ =	swait.ge [sflag:s28], $0x2800  }
0x67: {  	[sflag:s28] =	ssyncset.done $0x0  }
0x68: {  	s24 =	sadd.s32 $0xFFFFE700, s25;
	[sflag:s28] =	ssyncadd.s32 $0xFFFFD800  }
0x69: {  	[hbm4b:s24+s3] =	stream.linear.scatter [tilespmem:s16], [sflag:$0x3], $0x6400, $0x38;
	[tilespmem:$0x1AF40] =	vst v63  }
0x6a: {  	_ =	swait.ge [sflag:s29], $0x6400  }
0x6b: {  	[sflag:s29] =	ssyncset.done $0x0  }
0x6c: {  	[sflag:s29] =	ssyncadd.s32 $0xFFFF9C00  }
0x6d: {  	[tilespmem:s15], [sflag:$0x1] =	stream.linear.gather [spmem:s2], $0x6400, $0x38;
	[tilespmem:$0x1AF40] =	vst v63  }
0x6e: {  	_ =	swait.ge [sflag:s17], $0x6400  }
0x6f: {  	[sflag:s17] =	ssyncset.done $0x0  }
0x70: {  	s31 =	simm.s32 $0x3E8;
	[sflag:s17] =	ssyncadd.s32 $0xFFFF9C00  }
0x71: {  	[tilespmem:s14], [sflag:$0x2] =	stream.indirect.gather.add.f32 [hbm:s0], $0x80, s31, s18, $0xb8;
	[tilespmem:$0x1AF40] =	vst v63  }
0x72: {  	s1 =	simm.s32 $0x460  }
0x73: {  	[tilespmem:s23], [sflag:$0x2] =	stream.indirect.gather.add.f32 [hbm:s0], $0x80, s1, s19, $0xb8;
	[tilespmem:$0x1AF40] =	vst v63  }
0x74: {  	_ =	swait.ge [sflag:s28], $0x3C00  }
0x75: {  	[sflag:s28] =	ssyncset.done $0x0  }
0x76: {  	[sflag:s28] =	ssyncadd.s32 $0xFFFFC400  }
0x77: {  	_ =	swait.ge [sflag:s28], $0x2800  }
0x78: {  	[sflag:s28] =	ssyncset.done $0x0  }
0x79: {  	s22 =	sadd.s32 $0xFFFFF380, s25;
	[sflag:s28] =	ssyncadd.s32 $0xFFFFD800  }
0x7a: {  	[hbm4b:s22+s3] =	stream.linear.scatter [tilespmem:s13], [sflag:$0x3], $0x6400, $0x38;
	[tilespmem:$0x1AF40] =	vst v63  }
0x7b: {  	_ =	swait.ge [sflag:s29], $0x6400  }
0x7c: {  	[sflag:s29] =	ssyncset.done $0x0  }
0x7d: {  	[sflag:s29] =	ssyncadd.s32 $0xFFFF9C00  }
0x7e: {  	[tilespmem:s16], [sflag:$0x1] =	stream.linear.gather [spmem:s2], $0x6400, $0x38;
	[tilespmem:$0x1AF40] =	vst v63  }
0x7f: {  	_ =	swait.ge [sflag:s17], $0x6400  }
0x80: {  	[sflag:s17] =	ssyncset.done $0x0  }
0x81: {  	s24 =	simm.s32 $0x4B0;
	[sflag:s17] =	ssyncadd.s32 $0xFFFF9C00  }
0x82: {  	[tilespmem:s15], [sflag:$0x2] =	stream.indirect.gather.add.f32 [hbm:s0], $0x80, s24, s18, $0xb8;
	[tilespmem:$0x1AF40] =	vst v63  }
0x83: {  	s31 =	simm.s32 $0x528  }
0x84: {  	[tilespmem:s26], [sflag:$0x2] =	stream.indirect.gather.add.f32 [hbm:s0], $0x80, s31, s19, $0xb8;
	[tilespmem:$0x1AF40] =	vst v63  }
0x85: {  	_ =	swait.ge [sflag:s28], $0x3C00  }
0x86: {  	[sflag:s28] =	ssyncset.done $0x0  }
0x87: {  	[sflag:s28] =	ssyncadd.s32 $0xFFFFC400  }
0x88: {  	_ =	swait.ge [sflag:s28], $0x2800  }
0x89: {  	s11 =	smov.u32 s25;
	[sflag:s28] =	ssyncset.done $0x0  }
0x8a: {  	s22 =	simm.s32 $0xC80;
	s24 =	sadd.s32 $0x3200, s25;
	[sflag:s28] =	ssyncadd.s32 $0xFFFFD800  }
.LBB2_2:
0x8b: {  	[hbm4b:s11+s3] =	stream.linear.scatter [tilespmem:s14], [sflag:$0x3], $0x6400, $0x38;
	[tilespmem:$0x1AF40] =	vst v63  }
0x8c: {  	s31 =	smov.u32 s22;
	s11 =	smov.u32 s24  }
0x8d: {  	p1 =	sne.s32 s22, $0x4B00;
	s22 =	sadd.s32 $0xC80, s22;
	_ =	swait.ge [sflag:s29], $0x6400  }
0x8e: {  	[sflag:s29] =	ssyncset.done $0x0  }
0x8f: {  	[sflag:s29] =	ssyncadd.s32 $0xFFFF9C00  }
0x90: {  	[tilespmem:s13], [sflag:$0x1] =	stream.linear.gather [spmem:s2], $0x6400, $0x38;
	[tilespmem:$0x1AF40] =	vst v63  }
0x91: {  	_ =	swait.ge [sflag:s17], $0x6400  }
0x92: {  	s31 =	sshra.s32 s31, $0x2;
	[sflag:s17] =	ssyncset.done $0x0  }
0x93: {  	s1 =	sadd.s32 $0x258, s31;
	[sflag:s17] =	ssyncadd.s32 $0xFFFF9C00  }
0x94: {  	[tilespmem:s16], [sflag:$0x2] =	stream.indirect.gather.add.f32 [hbm:s0], $0x80, s1, s18, $0xb8;
	[tilespmem:$0x1AF40] =	vst v63  }
0x95: {  	s1 =	sadd.s32 $0x2D0, s31  }
0x96: {  	[tilespmem:s30], [sflag:$0x2] =	stream.indirect.gather.add.f32 [hbm:s0], $0x80, s1, s19, $0xb8;
	[tilespmem:$0x1AF40] =	vst v63  }
0x97: {  	_ =	swait.ge [sflag:s28], $0x3C00  }
0x98: {  	[sflag:s28] =	ssyncset.done $0x0  }
0x99: {  	[sflag:s28] =	ssyncadd.s32 $0xFFFFC400  }
0x9a: {  	_ =	swait.ge [sflag:s28], $0x2800  }
0x9b: {  	[sflag:s28] =	ssyncset.done $0x0  }
0x9c: {  	s1 =	sadd.s32 $0xFFFFDA80, s24;
	[sflag:s28] =	ssyncadd.s32 $0xFFFFD800  }
0x9d: {  	[hbm4b:s1+s3] =	stream.linear.scatter [tilespmem:s15], [sflag:$0x3], $0x6400, $0x38;
	[tilespmem:$0x1AF40] =	vst v63  }
0x9e: {  	_ =	swait.ge [sflag:s29], $0x6400  }
0x9f: {  	[sflag:s29] =	ssyncset.done $0x0  }
0xa0: {  	[sflag:s29] =	ssyncadd.s32 $0xFFFF9C00  }
0xa1: {  	[tilespmem:s14], [sflag:$0x1] =	stream.linear.gather [spmem:s2], $0x6400, $0x38;
	[tilespmem:$0x1AF40] =	vst v63  }
0xa2: {  	_ =	swait.ge [sflag:s17], $0x6400  }
0xa3: {  	[sflag:s17] =	ssyncset.done $0x0  }
0xa4: {  	s1 =	sadd.s32 $0x320, s31;
	[sflag:s17] =	ssyncadd.s32 $0xFFFF9C00  }
0xa5: {  	[tilespmem:s13], [sflag:$0x2] =	stream.indirect.gather.add.f32 [hbm:s0], $0x80, s1, s18, $0xb8;
	[tilespmem:$0x1AF40] =	vst v63  }
0xa6: {  	s1 =	sadd.s32 $0x398, s31  }
0xa7: {  	[tilespmem:s20], [sflag:$0x2] =	stream.indirect.gather.add.f32 [hbm:s0], $0x80, s1, s19, $0xb8;
	[tilespmem:$0x1AF40] =	vst v63  }
0xa8: {  	_ =	swait.ge [sflag:s28], $0x3C00  }
0xa9: {  	[sflag:s28] =	ssyncset.done $0x0  }
0xaa: {  	[sflag:s28] =	ssyncadd.s32 $0xFFFFC400  }
0xab: {  	_ =	swait.ge [sflag:s28], $0x2800  }
0xac: {  	[sflag:s28] =	ssyncset.done $0x0  }
0xad: {  	s1 =	sadd.s32 $0xFFFFE700, s24;
	[sflag:s28] =	ssyncadd.s32 $0xFFFFD800  }
0xae: {  	[hbm4b:s1+s3] =	stream.linear.scatter [tilespmem:s16], [sflag:$0x3], $0x6400, $0x38;
	[tilespmem:$0x1AF40] =	vst v63  }
0xaf: {  	_ =	swait.ge [sflag:s29], $0x6400  }
0xb0: {  	[sflag:s29] =	ssyncset.done $0x0  }
0xb1: {  	[sflag:s29] =	ssyncadd.s32 $0xFFFF9C00  }
0xb2: {  	[tilespmem:s15], [sflag:$0x1] =	stream.linear.gather [spmem:s2], $0x6400, $0x38;
	[tilespmem:$0x1AF40] =	vst v63  }
0xb3: {  	_ =	swait.ge [sflag:s17], $0x6400  }
0xb4: {  	[sflag:s17] =	ssyncset.done $0x0  }
0xb5: {  	s1 =	sadd.s32 $0x3E8, s31;
	[sflag:s17] =	ssyncadd.s32 $0xFFFF9C00  }
0xb6: {  	[tilespmem:s14], [sflag:$0x2] =	stream.indirect.gather.add.f32 [hbm:s0], $0x80, s1, s18, $0xb8;
	[tilespmem:$0x1AF40] =	vst v63  }
0xb7: {  	s1 =	sadd.s32 $0x460, s31  }
0xb8: {  	[tilespmem:s23], [sflag:$0x2] =	stream.indirect.gather.add.f32 [hbm:s0], $0x80, s1, s19, $0xb8;
	[tilespmem:$0x1AF40] =	vst v63  }
0xb9: {  	_ =	swait.ge [sflag:s28], $0x3C00  }
0xba: {  	[sflag:s28] =	ssyncset.done $0x0  }
0xbb: {  	[sflag:s28] =	ssyncadd.s32 $0xFFFFC400  }
0xbc: {  	_ =	swait.ge [sflag:s28], $0x2800  }
0xbd: {  	[sflag:s28] =	ssyncset.done $0x0  }
0xbe: {  	s1 =	sadd.s32 $0xFFFFF380, s24;
	[sflag:s28] =	ssyncadd.s32 $0xFFFFD800  }
0xbf: {  	[hbm4b:s1+s3] =	stream.linear.scatter [tilespmem:s13], [sflag:$0x3], $0x6400, $0x38;
	[tilespmem:$0x1AF40] =	vst v63  }
0xc0: {  	_ =	swait.ge [sflag:s29], $0x6400  }
0xc1: {  	[sflag:s29] =	ssyncset.done $0x0  }
0xc2: {  	[sflag:s29] =	ssyncadd.s32 $0xFFFF9C00  }
0xc3: {  	[tilespmem:s16], [sflag:$0x1] =	stream.linear.gather [spmem:s2], $0x6400, $0x38;
	[tilespmem:$0x1AF40] =	vst v63  }
0xc4: {  	_ =	swait.ge [sflag:s17], $0x6400  }
0xc5: {  	[sflag:s17] =	ssyncset.done $0x0  }
0xc6: {  	s1 =	sadd.s32 $0x4B0, s31;
	[sflag:s17] =	ssyncadd.s32 $0xFFFF9C00  }
0xc7: {  	[tilespmem:s15], [sflag:$0x2] =	stream.indirect.gather.add.f32 [hbm:s0], $0x80, s1, s18, $0xb8;
	[tilespmem:$0x1AF40] =	vst v63  }
0xc8: {  	s1 =	sadd.s32 $0x528, s31  }
0xc9: {  	[tilespmem:s26], [sflag:$0x2] =	stream.indirect.gather.add.f32 [hbm:s0], $0x80, s1, s19, $0xb8;
	[tilespmem:$0x1AF40] =	vst v63  }
0xca: {  	_ =	swait.ge [sflag:s28], $0x3C00  }
.Ltmp0:
0xcb: {  	[sflag:s28] =	ssyncset.done $0x0;
	(pc) =	sbr.rel @p1 .LBB2_2-.Ltmp0, $4  }
0xcc: {  	[sflag:s28] =	ssyncadd.s32 $0xFFFFC400  }
0xcd: {  	_ =	swait.ge [sflag:s28], $0x2800  }
0xce: {  	[sflag:s28] =	ssyncset.done $0x0  }
0xcf: {  	s24 =	sadd.s32 $0x3200, s24;
	[sflag:s28] =	ssyncadd.s32 $0xFFFFD800  }
0xd0: {  	[hbm4b:s11+s3] =	stream.linear.scatter [tilespmem:s14], [sflag:$0x3], $0x6400, $0x38;
	[tilespmem:$0x1AF40] =	vst v63  }
0xd1: {  	_ =	swait.ge [sflag:s17], $0x6400  }
0xd2: {  	[sflag:s17] =	ssyncset.done $0x0  }
0xd3: {  	s1 =	simm.s32 $0x1838;
	[sflag:s17] =	ssyncadd.s32 $0xFFFF9C00  }
0xd4: {  	[tilespmem:s16], [sflag:$0x2] =	stream.indirect.gather.add.f32 [hbm:s0], $0x80, s1, s18, $0xb8;
	[tilespmem:$0x1AF40] =	vst v63  }
0xd5: {  	s31 =	simm.s32 $0x18B0  }
0xd6: {  	[tilespmem:s30], [sflag:$0x2] =	stream.indirect.gather.add.f32 [hbm:s0], $0x80, s31, s19, $0xb8;
	[tilespmem:$0x1AF40] =	vst v63  }
0xd7: {  	_ =	swait.ge [sflag:s28], $0x3C00  }
0xd8: {  	[sflag:s28] =	ssyncset.done $0x0  }
0xd9: {  	[sflag:s28] =	ssyncadd.s32 $0xFFFFC400  }
0xda: {  	_ =	swait.ge [sflag:s28], $0x2800  }
0xdb: {  	[sflag:s28] =	ssyncset.done $0x0  }
0xdc: {  	[sflag:s28] =	ssyncadd.s32 $0xFFFFD800  }
0xdd: {  	[hbm4b:s8+s3] =	stream.linear.scatter [tilespmem:s15], [sflag:$0x3], $0x6400, $0x38;
	[tilespmem:$0x1AF40] =	vst v63  }
0xde: {  	_ =	swait.ge [sflag:s28], $0x3C00  }
0xdf: {  	[sflag:s28] =	ssyncset.done $0x0  }
0xe0: {  	[sflag:s28] =	ssyncadd.s32 $0xFFFFC400  }
0xe1: {  	_ =	swait.ge [sflag:s28], $0x2800  }
0xe2: {  	[sflag:s28] =	ssyncset.done $0x0  }
0xe3: {  	[sflag:s28] =	ssyncadd.s32 $0xFFFFD800  }
0xe4: {  	[hbm4b:s9+s3] =	stream.linear.scatter [tilespmem:s16], [sflag:$0x3], $0x6400, $0x38;
	[tilespmem:$0x1AF40] =	vst v63  }
0xe5: {  	_ =	swait.ge [sflag:s29], $0x6400  }
0xe6: {  	[sflag:s29] =	ssyncset.done $0x0  }
0xe7: {  	[sflag:s29] =	ssyncadd.s32 $0xFFFF9C00  }
0xe8: {  	_ =	swait.ge [sflag:s29], $0x6400  }
0xe9: {  	[sflag:s29] =	ssyncset.done $0x0  }
0xea: {  	s21 =	sadd.s32 $0x1, s21;
	[sflag:s29] =	ssyncadd.s32 $0xFFFF9C00  }
0xeb: {  	p1 =	sne.s32 s21, s10;
	_ =	swait.ge [sflag:s29], $0x6400  }
.Ltmp1:
0xec: {  	[sflag:s29] =	ssyncset.done $0x0;
	(pc) =	sbr.rel @p1 .LBB2_1-.Ltmp1, $4  }
0xed: {  	[sflag:s29] =	ssyncadd.s32 $0xFFFF9C00  }
0xee: {  	_ =	swait.ge [sflag:s29], $0x6400  }
0xef: {  	[sflag:s29] =	ssyncset.done $0x0  }
0xf0: {  	[sflag:s29] =	ssyncadd.s32 $0xFFFF9C00  }
0xf1: {  	_ =	sfence.sel $0x180000  }
0xf2: {  	[bflag:$0x0] =	sbarrier.arrive $0xFFFF  }
0xf3: {  	_ =	strace $0x90000047  }
0xf4: {  	[bflag:$0x2] =	sbarrier.arrive $0xFFFF  }
0xf5: {  	s0 =	rddreg [dreg:$0x4]  }
0xf6: {  	s0 =	sadd.s32 @!p0 $0x100000, s0  }
0xf7: {  	[sflag:s0] =	ssyncadd.tile.s32 @!p0 $0x1;
	_ =	shalt  }
.Lfunc_end2:
_tile_overlayer_lowered:
.L_overlay_start_2:
0xf8: {  	(tag) =	ssettag $0x2  }
0xf9: {  	s0 =	rddreg [dreg:$0x0];
	s2 =	stileid.u32  }
0xfa: {  	s1 =	rddreg [dreg:$0x1];
	p0 =	sne.s32 s2, $0x0  }
0xfb: {  	s3 =	rddreg [dreg:$0x2];
	[bflag:$0x3] =	sbarrier.arrive $0xFFFF;
	s2 =	simm.s32 @!p0 $0x1C04  }
0xfc: {  	[timem:s3], [sflag:s2] =	dma.local @!p0 [hbm:s0], s1  }
0xfd: {  	s0 =	simm.s32 @!p0 $0x4  }
0xfe: {  	_ =	swait.ge @!p0 [sflag:s0], s1  }
0xff: {  	s1 =	ssub.s32 @!p0 $0x0, s1;
	[sflag:s0] =	ssyncset.done @!p0 $0x0  }
0x100: {  	[sflag:s0] =	ssyncadd.s32 @!p0 s1  }
0x101: {  	[bflag:$0x3] =	sbarrier.arrive $0xFFFF  }
0x102: {  	_ =	shalt  }

</sc_bundles>
